<compile_context>
chip_gen: v7x
topology: tpu7x:2x2x1
jax: 0.10.2.dev20260603
libtpu: 0.0.44.dev20260713+nightly
codegen_flags: <defaults>
</compile_context>

<pallas_src>
import functools

import numpy as np

import jax
import jax.numpy as jnp
from jax import lax
from jax.experimental import pallas as pl
from jax.experimental.pallas import tpu as pltpu
from jax.experimental.pallas import tpu_sc as plsc

N_NODES = 10000
N_EDGES = 160000
D_IN = 256
D_E = 16
D_OUT = 256
D_H = D_OUT // 2

_NC, _NS = 2, 16
_NW = _NC * _NS
_EPW = N_EDGES // _NW
_EPT = N_EDGES // _NS
_CB = 40
_NCHUNK = _EPT // _CB
_NSLOT = 5
_MASK = np.uint32(0xFFFF0000)


def _pack_bf16_pair(lo_f32, hi_f32):
    lo_bits = lax.bitcast_convert_type(
        lo_f32.astype(jnp.bfloat16).astype(jnp.float32), jnp.uint32)
    hi_bits = lax.bitcast_convert_type(
        hi_f32.astype(jnp.bfloat16).astype(jnp.float32), jnp.uint32)
    word = (lo_bits >> 16) | (hi_bits & _MASK)
    return lax.bitcast_convert_type(word, jnp.int32)


def _unpack_bf16_pair(word_i32):
    w = lax.bitcast_convert_type(word_i32, jnp.uint32)
    lo = lax.bitcast_convert_type(w << 16, jnp.float32)
    hi = lax.bitcast_convert_type(w & _MASK, jnp.float32)
    return lo, hi


def _proj_body(x_ref, a_ref, b_ref, hi_ref, hj_ref):
    xb = x_ref[...]
    hi = jnp.dot(xb, a_ref[...], preferred_element_type=jnp.float32)
    hj = jnp.dot(xb, b_ref[...], preferred_element_type=jnp.float32)
    hi_ref[...] = _pack_bf16_pair(hi[:, :D_H], hi[:, D_H:])
    hj_ref[...] = _pack_bf16_pair(hj[:, :D_H], hj[:, D_H:])


def _node_proj(x, A, B):
    blk = 1000
    return pl.pallas_call(
        _proj_body,
        grid=(N_NODES // blk,),
        in_specs=[
            pl.BlockSpec((blk, D_IN), lambda i: (i, 0)),
            pl.BlockSpec((D_IN, D_OUT), lambda i: (0, 0)),
            pl.BlockSpec((D_IN, D_OUT), lambda i: (0, 0)),
        ],
        out_specs=[
            pl.BlockSpec((blk, D_H), lambda i: (i, 0)),
            pl.BlockSpec((blk, D_H), lambda i: (i, 0)),
        ],
        out_shape=[jax.ShapeDtypeStruct((N_NODES, D_H), jnp.int32)] * 2,
    )(x, A, B)


def _fuse_body(gi_ref, gj_ref, ea_ref, c_ref, out_ref):
    ec = jnp.dot(ea_ref[...], c_ref[...], preferred_element_type=jnp.float32)
    gil, gih = _unpack_bf16_pair(gi_ref[...])
    gjl, gjh = _unpack_bf16_pair(gj_ref[...])
    out_ref[:, :D_H] = jnp.maximum(gil + gjl + ec[:, :D_H], 0.0)
    out_ref[:, D_H:] = jnp.maximum(gih + gjh + ec[:, D_H:], 0.0)


def _edge_fuse(gi, gj, edge_attr, C):
    blk = 2000
    return pl.pallas_call(
        _fuse_body,
        grid=(N_EDGES // blk,),
        in_specs=[
            pl.BlockSpec((blk, D_H), lambda i: (i, 0)),
            pl.BlockSpec((blk, D_H), lambda i: (i, 0)),
            pl.BlockSpec((blk, D_E), lambda i: (i, 0)),
            pl.BlockSpec((D_E, D_OUT), lambda i: (0, 0)),
        ],
        out_specs=pl.BlockSpec((blk, D_OUT), lambda i: (i, 0)),
        out_shape=jax.ShapeDtypeStruct((N_EDGES, D_OUT), jnp.float32),
    )(gi, gj, edge_attr, C)


def _sc_body(hi_hbm, hj_hbm, row_hbm, col_hbm, gi_hbm, gj_hbm,
             shared, idx_all, bufs, sems_g, sems_o):
    cid = lax.axis_index("c")
    sid = lax.axis_index("s")

    def pipe(tab_hbm, idx_hbm, out_hbm):
        seg = 624
        pltpu.sync_copy(tab_hbm.at[pl.ds(sid * seg, seg)],
                        shared.at[pl.ds(sid * seg, seg)])

        @pl.when(sid == 0)
        def _():
            tail = N_NODES - seg * _NS
            pltpu.sync_copy(tab_hbm.at[pl.ds(seg * _NS, tail)],
                            shared.at[pl.ds(seg * _NS, tail)])

        pltpu.sync_copy(idx_hbm.at[pl.ds(sid * _EPT, _EPT)], idx_all)
        plsc.subcore_barrier()

        def issue(k, s):
            pltpu.async_copy(shared.at[idx_all.at[pl.ds(k * _CB, _CB)]],
                             bufs[s], sems_g[s])

        def finish(k, s):
            base = (sid * _EPT) + k * _CB
            pltpu.make_async_copy(shared.at[idx_all.at[pl.ds(k * _CB, _CB)]],
                                  bufs[s], sems_g[s]).wait()
            pltpu.async_copy(bufs[s], out_hbm.at[pl.ds(base, _CB)], sems_o[s])

        def wait_out(s):
            pltpu.make_async_copy(bufs[s], out_hbm.at[pl.ds(0, _CB)],
                                  sems_o[s]).wait()

        issue(0, 0)
        issue(1, 1)
        issue(2, 2)

        def group(q, carry):
            k0 = _NSLOT * q
            for s in range(_NSLOT):
                k = k0 + s
                finish(k, s)
                nxt = k + 3
                ns = (s + 3) % _NSLOT

                @pl.when(nxt < _NCHUNK)
                def _():
                    @pl.when(nxt >= _NSLOT)
                    def _():
                        wait_out(ns)

                    issue(nxt, ns)
            return carry

        lax.fori_loop(0, _NCHUNK // _NSLOT, group, 0, unroll=False)
        for s in range(_NSLOT):
            wait_out(s)

    @pl.when(cid == 0)
    def _():
        pipe(hi_hbm, row_hbm, gi_hbm)

    @pl.when(cid == 1)
    def _():
        pipe(hj_hbm, col_hbm, gj_hbm)


def _sc_gather(hi, hj, row3, col3):
    mesh = plsc.VectorSubcoreMesh(core_axis_name="c", subcore_axis_name="s",
                                  num_cores=_NC, num_subcores=_NS)
    f = pl.kernel(
        _sc_body,
        out_type=[jax.ShapeDtypeStruct((N_EDGES, D_H), jnp.int32)] * 2,
        mesh=mesh,
        scratch_types=[
            pltpu.VMEM_SHARED((N_NODES, D_H), jnp.int32),
            pltpu.VMEM((_EPT,), jnp.int32),
            [pltpu.VMEM((_CB, D_H), jnp.int32) for _ in range(_NSLOT)],
            [pltpu.SemaphoreType.DMA for _ in range(_NSLOT)],
            [pltpu.SemaphoreType.DMA for _ in range(_NSLOT)],
        ],
    )
    return f(hi, hj, row3, col3)


def kernel(x, edge_attr, edge_index, edge_type, A, B, C):
    del edge_type
    hi, hj = _node_proj(x, A, B)
    gi, gj = _sc_gather(hi, hj, edge_index[0], edge_index[1])
    return _edge_fuse(gi, gj, edge_attr, C)

# --- scband reference (transcript-rebuilt; emitter-appended) ---
"""Pipeline reference for scband-gated-conv-e-45174466019826 (READ-ONLY COPY).

The authoritative reference and input builder live on the scoring server;
editing this copy changes nothing except your own understanding.
"""

import jax, jax.numpy as jnp
import numpy as np


def _glorot(key, shape):
    s = float(np.sqrt(6.0 / (shape[0] + shape[1])))
    return jax.random.uniform(key, shape, dtype=jnp.float32, minval=-s, maxval=s)


def setup_inputs(seed: int = 0) -> dict:
    key = jax.random.key(seed)
    ks = jax.random.split(key, 8)
    N, E, d_in, d_e, d_out = 10000, 160000, 256, 16, 256
    x = jax.random.normal(ks[0], (N, d_in), dtype=jnp.float32)
    edge_attr = jax.random.normal(ks[1], (E, d_e), dtype=jnp.float32)
    edge_index = jax.random.randint(ks[2], (2, E), 0, N)
    edge_type = jax.random.randint(ks[3], (E,), 0, 4)
    A = _glorot(ks[4], (d_in, d_out))
    B = _glorot(ks[5], (d_in, d_out))
    C = _glorot(ks[6], (d_e, d_out))
    return {"x": x, "edge_attr": edge_attr, "edge_index": edge_index, "edge_type": edge_type, "A": A, "B": B, "C": C}


def reference(x, edge_attr, edge_index, edge_type, A, B, C):
    # edge_attr is already 2-D ([E, e_in]); the unsqueeze branch is a no-op here.
    row, col = edge_index[0], edge_index[1]
    h_i = jnp.dot(x, A)
    h_j = jnp.dot(x, B)
    e = jnp.take(h_i, row, axis=0) + jnp.take(h_j, col, axis=0) + jnp.dot(edge_attr, C)
    return jax.nn.relu(e)

if __name__ == "__main__":
    import jax
    _d = setup_inputs()
    print(jax.jit(kernel)(*tuple(_d.values())))

</pallas_src>

<mosaic_0001>
#map = affine_map<(d0, d1) -> (0, 0)>
#map1 = affine_map<(d0, d1) -> (0)>
module attributes {stable_mosaic.version = 14 : i64} {
  func.func @_sc_body(%arg0: i32, %arg1: i32, %arg2: memref<10000x128xi32, #tpu.memory_space<hbm>>, %arg3: memref<10000x128xi32, #tpu.memory_space<hbm>>, %arg4: memref<160000xi32, #tpu.memory_space<hbm>>, %arg5: memref<160000xi32, #tpu.memory_space<hbm>>, %arg6: memref<160000x128xi32, #tpu.memory_space<hbm>>, %arg7: memref<160000x128xi32, #tpu.memory_space<hbm>>, %arg8: memref<10000x128xi32, #tpu.memory_space<vmem_shared>>, %arg9: memref<10000xi32, #tpu.memory_space<vmem>>, %arg10: memref<40x128xi32, #tpu.memory_space<vmem>>, %arg11: memref<40x128xi32, #tpu.memory_space<vmem>>, %arg12: memref<40x128xi32, #tpu.memory_space<vmem>>, %arg13: memref<40x128xi32, #tpu.memory_space<vmem>>, %arg14: memref<40x128xi32, #tpu.memory_space<vmem>>, %arg15: memref<!tpu.dma_semaphore, #tpu.memory_space<semaphore_mem>>, %arg16: memref<!tpu.dma_semaphore, #tpu.memory_space<semaphore_mem>>, %arg17: memref<!tpu.dma_semaphore, #tpu.memory_space<semaphore_mem>>, %arg18: memref<!tpu.dma_semaphore, #tpu.memory_space<semaphore_mem>>, %arg19: memref<!tpu.dma_semaphore, #tpu.memory_space<semaphore_mem>>, %arg20: memref<!tpu.dma_semaphore, #tpu.memory_space<semaphore_mem>>, %arg21: memref<!tpu.dma_semaphore, #tpu.memory_space<semaphore_mem>>, %arg22: memref<!tpu.dma_semaphore, #tpu.memory_space<semaphore_mem>>, %arg23: memref<!tpu.dma_semaphore, #tpu.memory_space<semaphore_mem>>, %arg24: memref<!tpu.dma_semaphore, #tpu.memory_space<semaphore_mem>>) attributes {dimension_semantics = [#tpu.dimension_semantics<core_parallel>, #tpu.dimension_semantics<subcore_parallel>], iteration_bounds = array<i64: 2, 16>, scalar_prefetch = 0 : i64, scratch_operands = 17 : i64, tpu.core_type = #tpu.core_type<sc_vector_subcore>, window_params = [{transform_indices = #map}, {transform_indices = #map}, {transform_indices = #map1}, {transform_indices = #map1}, {transform_indices = #map}, {transform_indices = #map}]} {
    %eq3A = arith.constant 0 : i32
    %eq3A_0 = arith.cmpi eq, %arg0, %eq3A : i32
    %convert_element_type3A = arith.extui %eq3A_0 : i1 to i32
    %cond3A = arith.constant 0 : i32
    %cond3A_1 = arith.cmpi ne, %convert_element_type3A, %cond3A : i32
    scf.if %cond3A_1 {
      %mul3A = arith.constant 624 : i32
      %mul3A_7 = arith.muli %arg1, %mul3A : i32
      %mul3A_8 = arith.constant 624 : i32
      %mul3A_9 = arith.muli %arg1, %mul3A_8 : i32
      "tpu.region"() ({
        %run_scoped3A = tpu.sem_alloc : memref<!tpu.dma_semaphore, #tpu.memory_space<semaphore_mem>>
        %dma_start3A_65 = arith.constant 0 : i32
        %dma_start3A_66 = tpu.memref_slice %arg8[%mul3A_9, %dma_start3A_65] : memref<10000x128xi32, #tpu.memory_space<vmem_shared>> -> memref<624x128xi32, #tpu.memory_space<vmem_shared>>
        %dma_start3A_67 = arith.constant 0 : i32
        %dma_start3A_68 = tpu.memref_slice %arg2[%mul3A_7, %dma_start3A_67] : memref<10000x128xi32, #tpu.memory_space<hbm>> -> memref<624x128xi32, #tpu.memory_space<hbm>>
        tpu.enqueue_dma source(%dma_start3A_68 : memref<624x128xi32, #tpu.memory_space<hbm>>) target(%dma_start3A_66 : memref<624x128xi32, #tpu.memory_space<vmem_shared>>) target_semaphore(%run_scoped3A : memref<!tpu.dma_semaphore, #tpu.memory_space<semaphore_mem>>)
        %dma_wait3A_69 = arith.constant 0 : i32
        %dma_wait3A_70 = tpu.memref_slice %arg8[%mul3A_9, %dma_wait3A_69] : memref<10000x128xi32, #tpu.memory_space<vmem_shared>> -> memref<624x128xi32, #tpu.memory_space<vmem_shared>>
        %dma_wait3A_71 = arith.constant 0 : i32
        %dma_wait3A_72 = tpu.memref_slice %arg2[%mul3A_7, %dma_wait3A_71] : memref<10000x128xi32, #tpu.memory_space<hbm>> -> memref<624x128xi32, #tpu.memory_space<hbm>>
        tpu.wait_dma2 semaphore(%run_scoped3A : memref<!tpu.dma_semaphore, #tpu.memory_space<semaphore_mem>>) src(%dma_wait3A_72 : memref<624x128xi32, #tpu.memory_space<hbm>>) dst(%dma_wait3A_70 : memref<624x128xi32, #tpu.memory_space<vmem_shared>>)
        tpu.yield
      }) : () -> ()
      %eq3A_10 = arith.constant 0 : i32
      %eq3A_11 = arith.cmpi eq, %arg1, %eq3A_10 : i32
      %convert_element_type3A_12 = arith.extui %eq3A_11 : i1 to i32
      %cond3A_13 = arith.constant 0 : i32
      %cond3A_14 = arith.cmpi ne, %convert_element_type3A_12, %cond3A_13 : i32
      scf.if %cond3A_14 {
        "tpu.region"() ({
          %run_scoped3A = tpu.sem_alloc : memref<!tpu.dma_semaphore, #tpu.memory_space<semaphore_mem>>
          %dma_start3A_65 = arith.constant 9984 : i32
          %dma_start3A_66 = arith.constant 0 : i32
          %dma_start3A_67 = tpu.memref_slice %arg8[%dma_start3A_65, %dma_start3A_66] : memref<10000x128xi32, #tpu.memory_space<vmem_shared>> -> memref<16x128xi32, #tpu.memory_space<vmem_shared>>
          %dma_start3A_68 = arith.constant 9984 : i32
          %dma_start3A_69 = arith.constant 0 : i32
          %dma_start3A_70 = tpu.memref_slice %arg2[%dma_start3A_68, %dma_start3A_69] : memref<10000x128xi32, #tpu.memory_space<hbm>> -> memref<16x128xi32, #tpu.memory_space<hbm>>
          tpu.enqueue_dma source(%dma_start3A_70 : memref<16x128xi32, #tpu.memory_space<hbm>>) target(%dma_start3A_67 : memref<16x128xi32, #tpu.memory_space<vmem_shared>>) target_semaphore(%run_scoped3A : memref<!tpu.dma_semaphore, #tpu.memory_space<semaphore_mem>>)
          %dma_wait3A_71 = arith.constant 9984 : i32
          %dma_wait3A_72 = arith.constant 0 : i32
          %dma_wait3A_73 = tpu.memref_slice %arg8[%dma_wait3A_71, %dma_wait3A_72] : memref<10000x128xi32, #tpu.memory_space<vmem_shared>> -> memref<16x128xi32, #tpu.memory_space<vmem_shared>>
          %dma_wait3A_74 = arith.constant 9984 : i32
          %dma_wait3A_75 = arith.constant 0 : i32
          %dma_wait3A_76 = tpu.memref_slice %arg2[%dma_wait3A_74, %dma_wait3A_75] : memref<10000x128xi32, #tpu.memory_space<hbm>> -> memref<16x128xi32, #tpu.memory_space<hbm>>
          tpu.wait_dma2 semaphore(%run_scoped3A : memref<!tpu.dma_semaphore, #tpu.memory_space<semaphore_mem>>) src(%dma_wait3A_76 : memref<16x128xi32, #tpu.memory_space<hbm>>) dst(%dma_wait3A_73 : memref<16x128xi32, #tpu.memory_space<vmem_shared>>)
          tpu.yield
        }) : () -> ()
      } else {
      }
      %mul3A_15 = arith.constant 10000 : i32
      %mul3A_16 = arith.muli %arg1, %mul3A_15 : i32
      "tpu.region"() ({
        %run_scoped3A = tpu.sem_alloc : memref<!tpu.dma_semaphore, #tpu.memory_space<semaphore_mem>>
        %dma_start3A_65 = tpu.memref_slice %arg4[%mul3A_16] : memref<160000xi32, #tpu.memory_space<hbm>> -> memref<10000xi32, #tpu.memory_space<hbm>>
        %dma_start3A_66 = tpu.memref_slice %arg4[%mul3A_16] : memref<160000xi32, #tpu.memory_space<hbm>> -> memref<10000xi32, #tpu.memory_space<hbm>>
        tpu.enqueue_dma source(%dma_start3A_66 : memref<10000xi32, #tpu.memory_space<hbm>>) target(%arg9 : memref<10000xi32, #tpu.memory_space<vmem>>) target_semaphore(%run_scoped3A : memref<!tpu.dma_semaphore, #tpu.memory_space<semaphore_mem>>)
        %dma_wait3A_67 = tpu.memref_slice %arg4[%mul3A_16] : memref<160000xi32, #tpu.memory_space<hbm>> -> memref<10000xi32, #tpu.memory_space<hbm>>
        %dma_wait3A_68 = tpu.memref_slice %arg4[%mul3A_16] : memref<160000xi32, #tpu.memory_space<hbm>> -> memref<10000xi32, #tpu.memory_space<hbm>>
        tpu.wait_dma2 semaphore(%run_scoped3A : memref<!tpu.dma_semaphore, #tpu.memory_space<semaphore_mem>>) src(%dma_wait3A_68 : memref<10000xi32, #tpu.memory_space<hbm>>) dst(%arg9 : memref<10000xi32, #tpu.memory_space<vmem>>)
        tpu.yield
      }) : () -> ()
      %barrier3A = arith.constant 0 : index
      tpu.barrier barrier_id(%barrier3A)
      %dma_start3A = arith.constant 0 : i32
      %dma_start3A_17 = tpu.memref_slice %arg9[%dma_start3A] : memref<10000xi32, #tpu.memory_space<vmem>> -> memref<40xi32, #tpu.memory_space<vmem>>
      %dma_start3A_18 = arith.constant 0 : i32
      %dma_start3A_19 = arith.constant 0 : i32
      %dma_start3A_20 = tpu.memref_slice %arg8[%dma_start3A_18, %dma_start3A_19] : memref<10000x128xi32, #tpu.memory_space<vmem_shared>> -> memref<10000x128xi32, #tpu.memory_space<vmem_shared>>
      tpu.enqueue_indirect_dma source(%dma_start3A_20 : memref<10000x128xi32, #tpu.memory_space<vmem_shared>>) target(%arg10 : memref<40x128xi32, #tpu.memory_space<vmem>>) offsets(%dma_start3A_17 : memref<40xi32, #tpu.memory_space<vmem>>) semaphore(%arg15 : memref<!tpu.dma_semaphore, #tpu.memory_space<semaphore_mem>>)
      %dma_start3A_21 = arith.constant 40 : i32
      %dma_start3A_22 = tpu.memref_slice %arg9[%dma_start3A_21] : memref<10000xi32, #tpu.memory_space<vmem>> -> memref<40xi32, #tpu.memory_space<vmem>>
      %dma_start3A_23 = arith.constant 0 : i32
      %dma_start3A_24 = arith.constant 0 : i32
      %dma_start3A_25 = tpu.memref_slice %arg8[%dma_start3A_23, %dma_start3A_24] : memref<10000x128xi32, #tpu.memory_space<vmem_shared>> -> memref<10000x128xi32, #tpu.memory_space<vmem_shared>>
      tpu.enqueue_indirect_dma source(%dma_start3A_25 : memref<10000x128xi32, #tpu.memory_space<vmem_shared>>) target(%arg11 : memref<40x128xi32, #tpu.memory_space<vmem>>) offsets(%dma_start3A_22 : memref<40xi32, #tpu.memory_space<vmem>>) semaphore(%arg16 : memref<!tpu.dma_semaphore, #tpu.memory_space<semaphore_mem>>)
      %dma_start3A_26 = arith.constant 80 : i32
      %dma_start3A_27 = tpu.memref_slice %arg9[%dma_start3A_26] : memref<10000xi32, #tpu.memory_space<vmem>> -> memref<40xi32, #tpu.memory_space<vmem>>
      %dma_start3A_28 = arith.constant 0 : i32
      %dma_start3A_29 = arith.constant 0 : i32
      %dma_start3A_30 = tpu.memref_slice %arg8[%dma_start3A_28, %dma_start3A_29] : memref<10000x128xi32, #tpu.memory_space<vmem_shared>> -> memref<10000x128xi32, #tpu.memory_space<vmem_shared>>
      tpu.enqueue_indirect_dma source(%dma_start3A_30 : memref<10000x128xi32, #tpu.memory_space<vmem_shared>>) target(%arg12 : memref<40x128xi32, #tpu.memory_space<vmem>>) offsets(%dma_start3A_27 : memref<40xi32, #tpu.memory_space<vmem>>) semaphore(%arg17 : memref<!tpu.dma_semaphore, #tpu.memory_space<semaphore_mem>>)
      %scan3A = arith.constant 0 : i32
      %scan3A_31 = arith.constant 0 : i32
      %scan3A_32 = arith.constant 50 : i32
      %scan3A_33 = arith.addi %scan3A_31, %scan3A_32 : i32
      %scan3A_34 = arith.constant 1 : i32
      scf.for %scan3A_65 = %scan3A_31 to %scan3A_33 step %scan3A_34  : i32 {
        %mul3A_66 = arith.constant 5 : i32
        %mul3A_67 = arith.muli %mul3A_66, %scan3A_65 : i32
        %add3A = arith.constant 0 : i32
        %add3A_68 = arith.addi %mul3A_67, %add3A : i32
        %mul3A_69 = arith.constant 10000 : i32
        %mul3A_70 = arith.muli %arg1, %mul3A_69 : i32
        %mul3A_71 = arith.constant 40 : i32
        %mul3A_72 = arith.muli %add3A_68, %mul3A_71 : i32
        %add3A_73 = arith.addi %mul3A_70, %mul3A_72 : i32
        %mul3A_74 = arith.constant 40 : i32
        %mul3A_75 = arith.muli %add3A_68, %mul3A_74 : i32
        %dma_wait3A_76 = tpu.memref_slice %arg9[%mul3A_75] : memref<10000xi32, #tpu.memory_space<vmem>> -> memref<40xi32, #tpu.memory_space<vmem>>
        %dma_wait3A_77 = arith.constant 0 : i32
        %dma_wait3A_78 = arith.constant 0 : i32
        %dma_wait3A_79 = tpu.memref_slice %arg8[%dma_wait3A_77, %dma_wait3A_78] : memref<10000x128xi32, #tpu.memory_space<vmem_shared>> -> memref<10000x128xi32, #tpu.memory_space<vmem_shared>>
        tpu.wait_indirect_dma semaphore(%arg15 : memref<!tpu.dma_semaphore, #tpu.memory_space<semaphore_mem>>) src(%dma_wait3A_79 : memref<10000x128xi32, #tpu.memory_space<vmem_shared>>) dst(%arg10 : memref<40x128xi32, #tpu.memory_space<vmem>>)
        %dma_start3A_80 = arith.constant 0 : i32
        %dma_start3A_81 = tpu.memref_slice %arg6[%add3A_73, %dma_start3A_80] : memref<160000x128xi32, #tpu.memory_space<hbm>> -> memref<40x128xi32, #tpu.memory_space<hbm>>
        %dma_start3A_82 = arith.constant 0 : i32
        %dma_start3A_83 = tpu.memref_slice %arg6[%add3A_73, %dma_start3A_82] : memref<160000x128xi32, #tpu.memory_space<hbm>> -> memref<40x128xi32, #tpu.memory_space<hbm>>
        tpu.enqueue_dma source(%arg10 : memref<40x128xi32, #tpu.memory_space<vmem>>) target(%dma_start3A_83 : memref<40x128xi32, #tpu.memory_space<hbm>>) target_semaphore(%arg20 : memref<!tpu.dma_semaphore, #tpu.memory_space<semaphore_mem>>)
        %add3A_84 = arith.constant 3 : i32
        %add3A_85 = arith.addi %add3A_68, %add3A_84 : i32
        %lt3A = arith.constant 250 : i32
        %lt3A_86 = arith.cmpi slt, %add3A_85, %lt3A : i32
        %convert_element_type3A_87 = arith.extui %lt3A_86 : i1 to i32
        %cond3A_88 = arith.constant 0 : i32
        %cond3A_89 = arith.cmpi ne, %convert_element_type3A_87, %cond3A_88 : i32
        scf.if %cond3A_89 {
          %ge3A = arith.constant 5 : i32
          %ge3A_186 = arith.cmpi sge, %add3A_85, %ge3A : i32
          %convert_element_type3A_187 = arith.extui %ge3A_186 : i1 to i32
          %cond3A_188 = arith.constant 0 : i32
          %cond3A_189 = arith.cmpi ne, %convert_element_type3A_187, %cond3A_188 : i32
          scf.if %cond3A_189 {
            %dma_wait3A_196 = arith.constant 0 : i32
            %dma_wait3A_197 = arith.constant 0 : i32
            %dma_wait3A_198 = tpu.memref_slice %arg6[%dma_wait3A_196, %dma_wait3A_197] : memref<160000x128xi32, #tpu.memory_space<hbm>> -> memref<40x128xi32, #tpu.memory_space<hbm>>
            %dma_wait3A_199 = arith.constant 0 : i32
            %dma_wait3A_200 = arith.constant 0 : i32
            %dma_wait3A_201 = tpu.memref_slice %arg6[%dma_wait3A_199, %dma_wait3A_200] : memref<160000x128xi32, #tpu.memory_space<hbm>> -> memref<40x128xi32, #tpu.memory_space<hbm>>
            tpu.wait_dma2 semaphore(%arg23 : memref<!tpu.dma_semaphore, #tpu.memory_space<semaphore_mem>>) src(%arg13 : memref<40x128xi32, #tpu.memory_space<vmem>>) dst(%dma_wait3A_201 : memref<40x128xi32, #tpu.memory_space<hbm>>)
          } else {
          }
          %mul3A_190 = arith.constant 40 : i32
          %mul3A_191 = arith.muli %add3A_85, %mul3A_190 : i32
          %dma_start3A_192 = tpu.memref_slice %arg9[%mul3A_191] : memref<10000xi32, #tpu.memory_space<vmem>> -> memref<40xi32, #tpu.memory_space<vmem>>
          %dma_start3A_193 = arith.constant 0 : i32
          %dma_start3A_194 = arith.constant 0 : i32
          %dma_start3A_195 = tpu.memref_slice %arg8[%dma_start3A_193, %dma_start3A_194] : memref<10000x128xi32, #tpu.memory_space<vmem_shared>> -> memref<10000x128xi32, #tpu.memory_space<vmem_shared>>
          tpu.enqueue_indirect_dma source(%dma_start3A_195 : memref<10000x128xi32, #tpu.memory_space<vmem_shared>>) target(%arg13 : memref<40x128xi32, #tpu.memory_space<vmem>>) offsets(%dma_start3A_192 : memref<40xi32, #tpu.memory_space<vmem>>) semaphore(%arg18 : memref<!tpu.dma_semaphore, #tpu.memory_space<semaphore_mem>>)
        } else {
        }
        %add3A_90 = arith.constant 1 : i32
        %add3A_91 = arith.addi %mul3A_67, %add3A_90 : i32
        %mul3A_92 = arith.constant 10000 : i32
        %mul3A_93 = arith.muli %arg1, %mul3A_92 : i32
        %mul3A_94 = arith.constant 40 : i32
        %mul3A_95 = arith.muli %add3A_91, %mul3A_94 : i32
        %add3A_96 = arith.addi %mul3A_93, %mul3A_95 : i32
        %mul3A_97 = arith.constant 40 : i32
        %mul3A_98 = arith.muli %add3A_91, %mul3A_97 : i32
        %dma_wait3A_99 = tpu.memref_slice %arg9[%mul3A_98] : memref<10000xi32, #tpu.memory_space<vmem>> -> memref<40xi32, #tpu.memory_space<vmem>>
        %dma_wait3A_100 = arith.constant 0 : i32
        %dma_wait3A_101 = arith.constant 0 : i32
        %dma_wait3A_102 = tpu.memref_slice %arg8[%dma_wait3A_100, %dma_wait3A_101] : memref<10000x128xi32, #tpu.memory_space<vmem_shared>> -> memref<10000x128xi32, #tpu.memory_space<vmem_shared>>
        tpu.wait_indirect_dma semaphore(%arg16 : memref<!tpu.dma_semaphore, #tpu.memory_space<semaphore_mem>>) src(%dma_wait3A_102 : memref<10000x128xi32, #tpu.memory_space<vmem_shared>>) dst(%arg11 : memref<40x128xi32, #tpu.memory_space<vmem>>)
        %dma_start3A_103 = arith.constant 0 : i32
        %dma_start3A_104 = tpu.memref_slice %arg6[%add3A_96, %dma_start3A_103] : memref<160000x128xi32, #tpu.memory_space<hbm>> -> memref<40x128xi32, #tpu.memory_space<hbm>>
        %dma_start3A_105 = arith.constant 0 : i32
        %dma_start3A_106 = tpu.memref_slice %arg6[%add3A_96, %dma_start3A_105] : memref<160000x128xi32, #tpu.memory_space<hbm>> -> memref<40x128xi32, #tpu.memory_space<hbm>>
        tpu.enqueue_dma source(%arg11 : memref<40x128xi32, #tpu.memory_space<vmem>>) target(%dma_start3A_106 : memref<40x128xi32, #tpu.memory_space<hbm>>) target_semaphore(%arg21 : memref<!tpu.dma_semaphore, #tpu.memory_space<semaphore_mem>>)
        %add3A_107 = arith.constant 3 : i32
        %add3A_108 = arith.addi %add3A_91, %add3A_107 : i32
        %lt3A_109 = arith.constant 250 : i32
        %lt3A_110 = arith.cmpi slt, %add3A_108, %lt3A_109 : i32
        %convert_element_type3A_111 = arith.extui %lt3A_110 : i1 to i32
        %cond3A_112 = arith.constant 0 : i32
        %cond3A_113 = arith.cmpi ne, %convert_element_type3A_111, %cond3A_112 : i32
        scf.if %cond3A_113 {
          %ge3A = arith.constant 5 : i32
          %ge3A_186 = arith.cmpi sge, %add3A_108, %ge3A : i32
          %convert_element_type3A_187 = arith.extui %ge3A_186 : i1 to i32
          %cond3A_188 = arith.constant 0 : i32
          %cond3A_189 = arith.cmpi ne, %convert_element_type3A_187, %cond3A_188 : i32
          scf.if %cond3A_189 {
            %dma_wait3A_196 = arith.constant 0 : i32
            %dma_wait3A_197 = arith.constant 0 : i32
            %dma_wait3A_198 = tpu.memref_slice %arg6[%dma_wait3A_196, %dma_wait3A_197] : memref<160000x128xi32, #tpu.memory_space<hbm>> -> memref<40x128xi32, #tpu.memory_space<hbm>>
            %dma_wait3A_199 = arith.constant 0 : i32
            %dma_wait3A_200 = arith.constant 0 : i32
            %dma_wait3A_201 = tpu.memref_slice %arg6[%dma_wait3A_199, %dma_wait3A_200] : memref<160000x128xi32, #tpu.memory_space<hbm>> -> memref<40x128xi32, #tpu.memory_space<hbm>>
            tpu.wait_dma2 semaphore(%arg24 : memref<!tpu.dma_semaphore, #tpu.memory_space<semaphore_mem>>) src(%arg14 : memref<40x128xi32, #tpu.memory_space<vmem>>) dst(%dma_wait3A_201 : memref<40x128xi32, #tpu.memory_space<hbm>>)
          } else {
          }
          %mul3A_190 = arith.constant 40 : i32
          %mul3A_191 = arith.muli %add3A_108, %mul3A_190 : i32
          %dma_start3A_192 = tpu.memref_slice %arg9[%mul3A_191] : memref<10000xi32, #tpu.memory_space<vmem>> -> memref<40xi32, #tpu.memory_space<vmem>>
          %dma_start3A_193 = arith.constant 0 : i32
          %dma_start3A_194 = arith.constant 0 : i32
          %dma_start3A_195 = tpu.memref_slice %arg8[%dma_start3A_193, %dma_start3A_194] : memref<10000x128xi32, #tpu.memory_space<vmem_shared>> -> memref<10000x128xi32, #tpu.memory_space<vmem_shared>>
          tpu.enqueue_indirect_dma source(%dma_start3A_195 : memref<10000x128xi32, #tpu.memory_space<vmem_shared>>) target(%arg14 : memref<40x128xi32, #tpu.memory_space<vmem>>) offsets(%dma_start3A_192 : memref<40xi32, #tpu.memory_space<vmem>>) semaphore(%arg19 : memref<!tpu.dma_semaphore, #tpu.memory_space<semaphore_mem>>)
        } else {
        }
        %add3A_114 = arith.constant 2 : i32
        %add3A_115 = arith.addi %mul3A_67, %add3A_114 : i32
        %mul3A_116 = arith.constant 10000 : i32
        %mul3A_117 = arith.muli %arg1, %mul3A_116 : i32
        %mul3A_118 = arith.constant 40 : i32
        %mul3A_119 = arith.muli %add3A_115, %mul3A_118 : i32
        %add3A_120 = arith.addi %mul3A_117, %mul3A_119 : i32
        %mul3A_121 = arith.constant 40 : i32
        %mul3A_122 = arith.muli %add3A_115, %mul3A_121 : i32
        %dma_wait3A_123 = tpu.memref_slice %arg9[%mul3A_122] : memref<10000xi32, #tpu.memory_space<vmem>> -> memref<40xi32, #tpu.memory_space<vmem>>
        %dma_wait3A_124 = arith.constant 0 : i32
        %dma_wait3A_125 = arith.constant 0 : i32
        %dma_wait3A_126 = tpu.memref_slice %arg8[%dma_wait3A_124, %dma_wait3A_125] : memref<10000x128xi32, #tpu.memory_space<vmem_shared>> -> memref<10000x128xi32, #tpu.memory_space<vmem_shared>>
        tpu.wait_indirect_dma semaphore(%arg17 : memref<!tpu.dma_semaphore, #tpu.memory_space<semaphore_mem>>) src(%dma_wait3A_126 : memref<10000x128xi32, #tpu.memory_space<vmem_shared>>) dst(%arg12 : memref<40x128xi32, #tpu.memory_space<vmem>>)
        %dma_start3A_127 = arith.constant 0 : i32
        %dma_start3A_128 = tpu.memref_slice %arg6[%add3A_120, %dma_start3A_127] : memref<160000x128xi32, #tpu.memory_space<hbm>> -> memref<40x128xi32, #tpu.memory_space<hbm>>
        %dma_start3A_129 = arith.constant 0 : i32
        %dma_start3A_130 = tpu.memref_slice %arg6[%add3A_120, %dma_start3A_129] : memref<160000x128xi32, #tpu.memory_space<hbm>> -> memref<40x128xi32, #tpu.memory_space<hbm>>
        tpu.enqueue_dma source(%arg12 : memref<40x128xi32, #tpu.memory_space<vmem>>) target(%dma_start3A_130 : memref<40x128xi32, #tpu.memory_space<hbm>>) target_semaphore(%arg22 : memref<!tpu.dma_semaphore, #tpu.memory_space<semaphore_mem>>)
        %add3A_131 = arith.constant 3 : i32
        %add3A_132 = arith.addi %add3A_115, %add3A_131 : i32
        %lt3A_133 = arith.constant 250 : i32
        %lt3A_134 = arith.cmpi slt, %add3A_132, %lt3A_133 : i32
        %convert_element_type3A_135 = arith.extui %lt3A_134 : i1 to i32
        %cond3A_136 = arith.constant 0 : i32
        %cond3A_137 = arith.cmpi ne, %convert_element_type3A_135, %cond3A_136 : i32
        scf.if %cond3A_137 {
          %ge3A = arith.constant 5 : i32
          %ge3A_186 = arith.cmpi sge, %add3A_132, %ge3A : i32
          %convert_element_type3A_187 = arith.extui %ge3A_186 : i1 to i32
          %cond3A_188 = arith.constant 0 : i32
          %cond3A_189 = arith.cmpi ne, %convert_element_type3A_187, %cond3A_188 : i32
          scf.if %cond3A_189 {
            %dma_wait3A_196 = arith.constant 0 : i32
            %dma_wait3A_197 = arith.constant 0 : i32
            %dma_wait3A_198 = tpu.memref_slice %arg6[%dma_wait3A_196, %dma_wait3A_197] : memref<160000x128xi32, #tpu.memory_space<hbm>> -> memref<40x128xi32, #tpu.memory_space<hbm>>
            %dma_wait3A_199 = arith.constant 0 : i32
            %dma_wait3A_200 = arith.constant 0 : i32
            %dma_wait3A_201 = tpu.memref_slice %arg6[%dma_wait3A_199, %dma_wait3A_200] : memref<160000x128xi32, #tpu.memory_space<hbm>> -> memref<40x128xi32, #tpu.memory_space<hbm>>
            tpu.wait_dma2 semaphore(%arg20 : memref<!tpu.dma_semaphore, #tpu.memory_space<semaphore_mem>>) src(%arg10 : memref<40x128xi32, #tpu.memory_space<vmem>>) dst(%dma_wait3A_201 : memref<40x128xi32, #tpu.memory_space<hbm>>)
          } else {
          }
          %mul3A_190 = arith.constant 40 : i32
          %mul3A_191 = arith.muli %add3A_132, %mul3A_190 : i32
          %dma_start3A_192 = tpu.memref_slice %arg9[%mul3A_191] : memref<10000xi32, #tpu.memory_space<vmem>> -> memref<40xi32, #tpu.memory_space<vmem>>
          %dma_start3A_193 = arith.constant 0 : i32
          %dma_start3A_194 = arith.constant 0 : i32
          %dma_start3A_195 = tpu.memref_slice %arg8[%dma_start3A_193, %dma_start3A_194] : memref<10000x128xi32, #tpu.memory_space<vmem_shared>> -> memref<10000x128xi32, #tpu.memory_space<vmem_shared>>
          tpu.enqueue_indirect_dma source(%dma_start3A_195 : memref<10000x128xi32, #tpu.memory_space<vmem_shared>>) target(%arg10 : memref<40x128xi32, #tpu.memory_space<vmem>>) offsets(%dma_start3A_192 : memref<40xi32, #tpu.memory_space<vmem>>) semaphore(%arg15 : memref<!tpu.dma_semaphore, #tpu.memory_space<semaphore_mem>>)
        } else {
        }
        %add3A_138 = arith.constant 3 : i32
        %add3A_139 = arith.addi %mul3A_67, %add3A_138 : i32
        %mul3A_140 = arith.constant 10000 : i32
        %mul3A_141 = arith.muli %arg1, %mul3A_140 : i32
        %mul3A_142 = arith.constant 40 : i32
        %mul3A_143 = arith.muli %add3A_139, %mul3A_142 : i32
        %add3A_144 = arith.addi %mul3A_141, %mul3A_143 : i32
        %mul3A_145 = arith.constant 40 : i32
        %mul3A_146 = arith.muli %add3A_139, %mul3A_145 : i32
        %dma_wait3A_147 = tpu.memref_slice %arg9[%mul3A_146] : memref<10000xi32, #tpu.memory_space<vmem>> -> memref<40xi32, #tpu.memory_space<vmem>>
        %dma_wait3A_148 = arith.constant 0 : i32
        %dma_wait3A_149 = arith.constant 0 : i32
        %dma_wait3A_150 = tpu.memref_slice %arg8[%dma_wait3A_148, %dma_wait3A_149] : memref<10000x128xi32, #tpu.memory_space<vmem_shared>> -> memref<10000x128xi32, #tpu.memory_space<vmem_shared>>
        tpu.wait_indirect_dma semaphore(%arg18 : memref<!tpu.dma_semaphore, #tpu.memory_space<semaphore_mem>>) src(%dma_wait3A_150 : memref<10000x128xi32, #tpu.memory_space<vmem_shared>>) dst(%arg13 : memref<40x128xi32, #tpu.memory_space<vmem>>)
        %dma_start3A_151 = arith.constant 0 : i32
        %dma_start3A_152 = tpu.memref_slice %arg6[%add3A_144, %dma_start3A_151] : memref<160000x128xi32, #tpu.memory_space<hbm>> -> memref<40x128xi32, #tpu.memory_space<hbm>>
        %dma_start3A_153 = arith.constant 0 : i32
        %dma_start3A_154 = tpu.memref_slice %arg6[%add3A_144, %dma_start3A_153] : memref<160000x128xi32, #tpu.memory_space<hbm>> -> memref<40x128xi32, #tpu.memory_space<hbm>>
        tpu.enqueue_dma source(%arg13 : memref<40x128xi32, #tpu.memory_space<vmem>>) target(%dma_start3A_154 : memref<40x128xi32, #tpu.memory_space<hbm>>) target_semaphore(%arg23 : memref<!tpu.dma_semaphore, #tpu.memory_space<semaphore_mem>>)
        %add3A_155 = arith.constant 3 : i32
        %add3A_156 = arith.addi %add3A_139, %add3A_155 : i32
        %lt3A_157 = arith.constant 250 : i32
        %lt3A_158 = arith.cmpi slt, %add3A_156, %lt3A_157 : i32
        %convert_element_type3A_159 = arith.extui %lt3A_158 : i1 to i32
        %cond3A_160 = arith.constant 0 : i32
        %cond3A_161 = arith.cmpi ne, %convert_element_type3A_159, %cond3A_160 : i32
        scf.if %cond3A_161 {
          %ge3A = arith.constant 5 : i32
          %ge3A_186 = arith.cmpi sge, %add3A_156, %ge3A : i32
          %convert_element_type3A_187 = arith.extui %ge3A_186 : i1 to i32
          %cond3A_188 = arith.constant 0 : i32
          %cond3A_189 = arith.cmpi ne, %convert_element_type3A_187, %cond3A_188 : i32
          scf.if %cond3A_189 {
            %dma_wait3A_196 = arith.constant 0 : i32
            %dma_wait3A_197 = arith.constant 0 : i32
            %dma_wait3A_198 = tpu.memref_slice %arg6[%dma_wait3A_196, %dma_wait3A_197] : memref<160000x128xi32, #tpu.memory_space<hbm>> -> memref<40x128xi32, #tpu.memory_space<hbm>>
            %dma_wait3A_199 = arith.constant 0 : i32
            %dma_wait3A_200 = arith.constant 0 : i32
            %dma_wait3A_201 = tpu.memref_slice %arg6[%dma_wait3A_199, %dma_wait3A_200] : memref<160000x128xi32, #tpu.memory_space<hbm>> -> memref<40x128xi32, #tpu.memory_space<hbm>>
            tpu.wait_dma2 semaphore(%arg21 : memref<!tpu.dma_semaphore, #tpu.memory_space<semaphore_mem>>) src(%arg11 : memref<40x128xi32, #tpu.memory_space<vmem>>) dst(%dma_wait3A_201 : memref<40x128xi32, #tpu.memory_space<hbm>>)
          } else {
          }
          %mul3A_190 = arith.constant 40 : i32
          %mul3A_191 = arith.muli %add3A_156, %mul3A_190 : i32
          %dma_start3A_192 = tpu.memref_slice %arg9[%mul3A_191] : memref<10000xi32, #tpu.memory_space<vmem>> -> memref<40xi32, #tpu.memory_space<vmem>>
          %dma_start3A_193 = arith.constant 0 : i32
          %dma_start3A_194 = arith.constant 0 : i32
          %dma_start3A_195 = tpu.memref_slice %arg8[%dma_start3A_193, %dma_start3A_194] : memref<10000x128xi32, #tpu.memory_space<vmem_shared>> -> memref<10000x128xi32, #tpu.memory_space<vmem_shared>>
          tpu.enqueue_indirect_dma source(%dma_start3A_195 : memref<10000x128xi32, #tpu.memory_space<vmem_shared>>) target(%arg11 : memref<40x128xi32, #tpu.memory_space<vmem>>) offsets(%dma_start3A_192 : memref<40xi32, #tpu.memory_space<vmem>>) semaphore(%arg16 : memref<!tpu.dma_semaphore, #tpu.memory_space<semaphore_mem>>)
        } else {
        }
        %add3A_162 = arith.constant 4 : i32
        %add3A_163 = arith.addi %mul3A_67, %add3A_162 : i32
        %mul3A_164 = arith.constant 10000 : i32
        %mul3A_165 = arith.muli %arg1, %mul3A_164 : i32
        %mul3A_166 = arith.constant 40 : i32
        %mul3A_167 = arith.muli %add3A_163, %mul3A_166 : i32
        %add3A_168 = arith.addi %mul3A_165, %mul3A_167 : i32
        %mul3A_169 = arith.constant 40 : i32
        %mul3A_170 = arith.muli %add3A_163, %mul3A_169 : i32
        %dma_wait3A_171 = tpu.memref_slice %arg9[%mul3A_170] : memref<10000xi32, #tpu.memory_space<vmem>> -> memref<40xi32, #tpu.memory_space<vmem>>
        %dma_wait3A_172 = arith.constant 0 : i32
        %dma_wait3A_173 = arith.constant 0 : i32
        %dma_wait3A_174 = tpu.memref_slice %arg8[%dma_wait3A_172, %dma_wait3A_173] : memref<10000x128xi32, #tpu.memory_space<vmem_shared>> -> memref<10000x128xi32, #tpu.memory_space<vmem_shared>>
        tpu.wait_indirect_dma semaphore(%arg19 : memref<!tpu.dma_semaphore, #tpu.memory_space<semaphore_mem>>) src(%dma_wait3A_174 : memref<10000x128xi32, #tpu.memory_space<vmem_shared>>) dst(%arg14 : memref<40x128xi32, #tpu.memory_space<vmem>>)
        %dma_start3A_175 = arith.constant 0 : i32
        %dma_start3A_176 = tpu.memref_slice %arg6[%add3A_168, %dma_start3A_175] : memref<160000x128xi32, #tpu.memory_space<hbm>> -> memref<40x128xi32, #tpu.memory_space<hbm>>
        %dma_start3A_177 = arith.constant 0 : i32
        %dma_start3A_178 = tpu.memref_slice %arg6[%add3A_168, %dma_start3A_177] : memref<160000x128xi32, #tpu.memory_space<hbm>> -> memref<40x128xi32, #tpu.memory_space<hbm>>
        tpu.enqueue_dma source(%arg14 : memref<40x128xi32, #tpu.memory_space<vmem>>) target(%dma_start3A_178 : memref<40x128xi32, #tpu.memory_space<hbm>>) target_semaphore(%arg24 : memref<!tpu.dma_semaphore, #tpu.memory_space<semaphore_mem>>)
        %add3A_179 = arith.constant 3 : i32
        %add3A_180 = arith.addi %add3A_163, %add3A_179 : i32
        %lt3A_181 = arith.constant 250 : i32
        %lt3A_182 = arith.cmpi slt, %add3A_180, %lt3A_181 : i32
        %convert_element_type3A_183 = arith.extui %lt3A_182 : i1 to i32
        %cond3A_184 = arith.constant 0 : i32
        %cond3A_185 = arith.cmpi ne, %convert_element_type3A_183, %cond3A_184 : i32
        scf.if %cond3A_185 {
          %ge3A = arith.constant 5 : i32
          %ge3A_186 = arith.cmpi sge, %add3A_180, %ge3A : i32
          %convert_element_type3A_187 = arith.extui %ge3A_186 : i1 to i32
          %cond3A_188 = arith.constant 0 : i32
          %cond3A_189 = arith.cmpi ne, %convert_element_type3A_187, %cond3A_188 : i32
          scf.if %cond3A_189 {
            %dma_wait3A_196 = arith.constant 0 : i32
            %dma_wait3A_197 = arith.constant 0 : i32
            %dma_wait3A_198 = tpu.memref_slice %arg6[%dma_wait3A_196, %dma_wait3A_197] : memref<160000x128xi32, #tpu.memory_space<hbm>> -> memref<40x128xi32, #tpu.memory_space<hbm>>
            %dma_wait3A_199 = arith.constant 0 : i32
            %dma_wait3A_200 = arith.constant 0 : i32
            %dma_wait3A_201 = tpu.memref_slice %arg6[%dma_wait3A_199, %dma_wait3A_200] : memref<160000x128xi32, #tpu.memory_space<hbm>> -> memref<40x128xi32, #tpu.memory_space<hbm>>
            tpu.wait_dma2 semaphore(%arg22 : memref<!tpu.dma_semaphore, #tpu.memory_space<semaphore_mem>>) src(%arg12 : memref<40x128xi32, #tpu.memory_space<vmem>>) dst(%dma_wait3A_201 : memref<40x128xi32, #tpu.memory_space<hbm>>)
          } else {
          }
          %mul3A_190 = arith.constant 40 : i32
          %mul3A_191 = arith.muli %add3A_180, %mul3A_190 : i32
          %dma_start3A_192 = tpu.memref_slice %arg9[%mul3A_191] : memref<10000xi32, #tpu.memory_space<vmem>> -> memref<40xi32, #tpu.memory_space<vmem>>
          %dma_start3A_193 = arith.constant 0 : i32
          %dma_start3A_194 = arith.constant 0 : i32
          %dma_start3A_195 = tpu.memref_slice %arg8[%dma_start3A_193, %dma_start3A_194] : memref<10000x128xi32, #tpu.memory_space<vmem_shared>> -> memref<10000x128xi32, #tpu.memory_space<vmem_shared>>
          tpu.enqueue_indirect_dma source(%dma_start3A_195 : memref<10000x128xi32, #tpu.memory_space<vmem_shared>>) target(%arg12 : memref<40x128xi32, #tpu.memory_space<vmem>>) offsets(%dma_start3A_192 : memref<40xi32, #tpu.memory_space<vmem>>) semaphore(%arg17 : memref<!tpu.dma_semaphore, #tpu.memory_space<semaphore_mem>>)
        } else {
        }
      }
      %scan3A_35 = arith.constant 50 : i32
      %dma_wait3A = arith.constant 0 : i32
      %dma_wait3A_36 = arith.constant 0 : i32
      %dma_wait3A_37 = tpu.memref_slice %arg6[%dma_wait3A, %dma_wait3A_36] : memref<160000x128xi32, #tpu.memory_space<hbm>> -> memref<40x128xi32, #tpu.memory_space<hbm>>
      %dma_wait3A_38 = arith.constant 0 : i32
      %dma_wait3A_39 = arith.constant 0 : i32
      %dma_wait3A_40 = tpu.memref_slice %arg6[%dma_wait3A_38, %dma_wait3A_39] : memref<160000x128xi32, #tpu.memory_space<hbm>> -> memref<40x128xi32, #tpu.memory_space<hbm>>
      tpu.wait_dma2 semaphore(%arg20 : memref<!tpu.dma_semaphore, #tpu.memory_space<semaphore_mem>>) src(%arg10 : memref<40x128xi32, #tpu.memory_space<vmem>>) dst(%dma_wait3A_40 : memref<40x128xi32, #tpu.memory_space<hbm>>)
      %dma_wait3A_41 = arith.constant 0 : i32
      %dma_wait3A_42 = arith.constant 0 : i32
      %dma_wait3A_43 = tpu.memref_slice %arg6[%dma_wait3A_41, %dma_wait3A_42] : memref<160000x128xi32, #tpu.memory_space<hbm>> -> memref<40x128xi32, #tpu.memory_space<hbm>>
      %dma_wait3A_44 = arith.constant 0 : i32
      %dma_wait3A_45 = arith.constant 0 : i32
      %dma_wait3A_46 = tpu.memref_slice %arg6[%dma_wait3A_44, %dma_wait3A_45] : memref<160000x128xi32, #tpu.memory_space<hbm>> -> memref<40x128xi32, #tpu.memory_space<hbm>>
      tpu.wait_dma2 semaphore(%arg21 : memref<!tpu.dma_semaphore, #tpu.memory_space<semaphore_mem>>) src(%arg11 : memref<40x128xi32, #tpu.memory_space<vmem>>) dst(%dma_wait3A_46 : memref<40x128xi32, #tpu.memory_space<hbm>>)
      %dma_wait3A_47 = arith.constant 0 : i32
      %dma_wait3A_48 = arith.constant 0 : i32
      %dma_wait3A_49 = tpu.memref_slice %arg6[%dma_wait3A_47, %dma_wait3A_48] : memref<160000x128xi32, #tpu.memory_space<hbm>> -> memref<40x128xi32, #tpu.memory_space<hbm>>
      %dma_wait3A_50 = arith.constant 0 : i32
      %dma_wait3A_51 = arith.constant 0 : i32
      %dma_wait3A_52 = tpu.memref_slice %arg6[%dma_wait3A_50, %dma_wait3A_51] : memref<160000x128xi32, #tpu.memory_space<hbm>> -> memref<40x128xi32, #tpu.memory_space<hbm>>
      tpu.wait_dma2 semaphore(%arg22 : memref<!tpu.dma_semaphore, #tpu.memory_space<semaphore_mem>>) src(%arg12 : memref<40x128xi32, #tpu.memory_space<vmem>>) dst(%dma_wait3A_52 : memref<40x128xi32, #tpu.memory_space<hbm>>)
      %dma_wait3A_53 = arith.constant 0 : i32
      %dma_wait3A_54 = arith.constant 0 : i32
      %dma_wait3A_55 = tpu.memref_slice %arg6[%dma_wait3A_53, %dma_wait3A_54] : memref<160000x128xi32, #tpu.memory_space<hbm>> -> memref<40x128xi32, #tpu.memory_space<hbm>>
      %dma_wait3A_56 = arith.constant 0 : i32
      %dma_wait3A_57 = arith.constant 0 : i32
      %dma_wait3A_58 = tpu.memref_slice %arg6[%dma_wait3A_56, %dma_wait3A_57] : memref<160000x128xi32, #tpu.memory_space<hbm>> -> memref<40x128xi32, #tpu.memory_space<hbm>>
      tpu.wait_dma2 semaphore(%arg23 : memref<!tpu.dma_semaphore, #tpu.memory_space<semaphore_mem>>) src(%arg13 : memref<40x128xi32, #tpu.memory_space<vmem>>) dst(%dma_wait3A_58 : memref<40x128xi32, #tpu.memory_space<hbm>>)
      %dma_wait3A_59 = arith.constant 0 : i32
      %dma_wait3A_60 = arith.constant 0 : i32
      %dma_wait3A_61 = tpu.memref_slice %arg6[%dma_wait3A_59, %dma_wait3A_60] : memref<160000x128xi32, #tpu.memory_space<hbm>> -> memref<40x128xi32, #tpu.memory_space<hbm>>
      %dma_wait3A_62 = arith.constant 0 : i32
      %dma_wait3A_63 = arith.constant 0 : i32
      %dma_wait3A_64 = tpu.memref_slice %arg6[%dma_wait3A_62, %dma_wait3A_63] : memref<160000x128xi32, #tpu.memory_space<hbm>> -> memref<40x128xi32, #tpu.memory_space<hbm>>
      tpu.wait_dma2 semaphore(%arg24 : memref<!tpu.dma_semaphore, #tpu.memory_space<semaphore_mem>>) src(%arg14 : memref<40x128xi32, #tpu.memory_space<vmem>>) dst(%dma_wait3A_64 : memref<40x128xi32, #tpu.memory_space<hbm>>)
    } else {
    }
    %eq3A_2 = arith.constant 1 : i32
    %eq3A_3 = arith.cmpi eq, %arg0, %eq3A_2 : i32
    %convert_element_type3A_4 = arith.extui %eq3A_3 : i1 to i32
    %cond3A_5 = arith.constant 0 : i32
    %cond3A_6 = arith.cmpi ne, %convert_element_type3A_4, %cond3A_5 : i32
    scf.if %cond3A_6 {
      %mul3A = arith.constant 624 : i32
      %mul3A_7 = arith.muli %arg1, %mul3A : i32
      %mul3A_8 = arith.constant 624 : i32
      %mul3A_9 = arith.muli %arg1, %mul3A_8 : i32
      "tpu.region"() ({
        %run_scoped3A = tpu.sem_alloc : memref<!tpu.dma_semaphore, #tpu.memory_space<semaphore_mem>>
        %dma_start3A_65 = arith.constant 0 : i32
        %dma_start3A_66 = tpu.memref_slice %arg8[%mul3A_9, %dma_start3A_65] : memref<10000x128xi32, #tpu.memory_space<vmem_shared>> -> memref<624x128xi32, #tpu.memory_space<vmem_shared>>
        %dma_start3A_67 = arith.constant 0 : i32
        %dma_start3A_68 = tpu.memref_slice %arg3[%mul3A_7, %dma_start3A_67] : memref<10000x128xi32, #tpu.memory_space<hbm>> -> memref<624x128xi32, #tpu.memory_space<hbm>>
        tpu.enqueue_dma source(%dma_start3A_68 : memref<624x128xi32, #tpu.memory_space<hbm>>) target(%dma_start3A_66 : memref<624x128xi32, #tpu.memory_space<vmem_shared>>) target_semaphore(%run_scoped3A : memref<!tpu.dma_semaphore, #tpu.memory_space<semaphore_mem>>)
        %dma_wait3A_69 = arith.constant 0 : i32
        %dma_wait3A_70 = tpu.memref_slice %arg8[%mul3A_9, %dma_wait3A_69] : memref<10000x128xi32, #tpu.memory_space<vmem_shared>> -> memref<624x128xi32, #tpu.memory_space<vmem_shared>>
        %dma_wait3A_71 = arith.constant 0 : i32
        %dma_wait3A_72 = tpu.memref_slice %arg3[%mul3A_7, %dma_wait3A_71] : memref<10000x128xi32, #tpu.memory_space<hbm>> -> memref<624x128xi32, #tpu.memory_space<hbm>>
        tpu.wait_dma2 semaphore(%run_scoped3A : memref<!tpu.dma_semaphore, #tpu.memory_space<semaphore_mem>>) src(%dma_wait3A_72 : memref<624x128xi32, #tpu.memory_space<hbm>>) dst(%dma_wait3A_70 : memref<624x128xi32, #tpu.memory_space<vmem_shared>>)
        tpu.yield
      }) : () -> ()
      %eq3A_10 = arith.constant 0 : i32
      %eq3A_11 = arith.cmpi eq, %arg1, %eq3A_10 : i32
      %convert_element_type3A_12 = arith.extui %eq3A_11 : i1 to i32
      %cond3A_13 = arith.constant 0 : i32
      %cond3A_14 = arith.cmpi ne, %convert_element_type3A_12, %cond3A_13 : i32
      scf.if %cond3A_14 {
        "tpu.region"() ({
          %run_scoped3A = tpu.sem_alloc : memref<!tpu.dma_semaphore, #tpu.memory_space<semaphore_mem>>
          %dma_start3A_65 = arith.constant 9984 : i32
          %dma_start3A_66 = arith.constant 0 : i32
          %dma_start3A_67 = tpu.memref_slice %arg8[%dma_start3A_65, %dma_start3A_66] : memref<10000x128xi32, #tpu.memory_space<vmem_shared>> -> memref<16x128xi32, #tpu.memory_space<vmem_shared>>
          %dma_start3A_68 = arith.constant 9984 : i32
          %dma_start3A_69 = arith.constant 0 : i32
          %dma_start3A_70 = tpu.memref_slice %arg3[%dma_start3A_68, %dma_start3A_69] : memref<10000x128xi32, #tpu.memory_space<hbm>> -> memref<16x128xi32, #tpu.memory_space<hbm>>
          tpu.enqueue_dma source(%dma_start3A_70 : memref<16x128xi32, #tpu.memory_space<hbm>>) target(%dma_start3A_67 : memref<16x128xi32, #tpu.memory_space<vmem_shared>>) target_semaphore(%run_scoped3A : memref<!tpu.dma_semaphore, #tpu.memory_space<semaphore_mem>>)
          %dma_wait3A_71 = arith.constant 9984 : i32
          %dma_wait3A_72 = arith.constant 0 : i32
          %dma_wait3A_73 = tpu.memref_slice %arg8[%dma_wait3A_71, %dma_wait3A_72] : memref<10000x128xi32, #tpu.memory_space<vmem_shared>> -> memref<16x128xi32, #tpu.memory_space<vmem_shared>>
          %dma_wait3A_74 = arith.constant 9984 : i32
          %dma_wait3A_75 = arith.constant 0 : i32
          %dma_wait3A_76 = tpu.memref_slice %arg3[%dma_wait3A_74, %dma_wait3A_75] : memref<10000x128xi32, #tpu.memory_space<hbm>> -> memref<16x128xi32, #tpu.memory_space<hbm>>
          tpu.wait_dma2 semaphore(%run_scoped3A : memref<!tpu.dma_semaphore, #tpu.memory_space<semaphore_mem>>) src(%dma_wait3A_76 : memref<16x128xi32, #tpu.memory_space<hbm>>) dst(%dma_wait3A_73 : memref<16x128xi32, #tpu.memory_space<vmem_shared>>)
          tpu.yield
        }) : () -> ()
      } else {
      }
      %mul3A_15 = arith.constant 10000 : i32
      %mul3A_16 = arith.muli %arg1, %mul3A_15 : i32
      "tpu.region"() ({
        %run_scoped3A = tpu.sem_alloc : memref<!tpu.dma_semaphore, #tpu.memory_space<semaphore_mem>>
        %dma_start3A_65 = tpu.memref_slice %arg5[%mul3A_16] : memref<160000xi32, #tpu.memory_space<hbm>> -> memref<10000xi32, #tpu.memory_space<hbm>>
        %dma_start3A_66 = tpu.memref_slice %arg5[%mul3A_16] : memref<160000xi32, #tpu.memory_space<hbm>> -> memref<10000xi32, #tpu.memory_space<hbm>>
        tpu.enqueue_dma source(%dma_start3A_66 : memref<10000xi32, #tpu.memory_space<hbm>>) target(%arg9 : memref<10000xi32, #tpu.memory_space<vmem>>) target_semaphore(%run_scoped3A : memref<!tpu.dma_semaphore, #tpu.memory_space<semaphore_mem>>)
        %dma_wait3A_67 = tpu.memref_slice %arg5[%mul3A_16] : memref<160000xi32, #tpu.memory_space<hbm>> -> memref<10000xi32, #tpu.memory_space<hbm>>
        %dma_wait3A_68 = tpu.memref_slice %arg5[%mul3A_16] : memref<160000xi32, #tpu.memory_space<hbm>> -> memref<10000xi32, #tpu.memory_space<hbm>>
        tpu.wait_dma2 semaphore(%run_scoped3A : memref<!tpu.dma_semaphore, #tpu.memory_space<semaphore_mem>>) src(%dma_wait3A_68 : memref<10000xi32, #tpu.memory_space<hbm>>) dst(%arg9 : memref<10000xi32, #tpu.memory_space<vmem>>)
        tpu.yield
      }) : () -> ()
      %barrier3A = arith.constant 0 : index
      tpu.barrier barrier_id(%barrier3A)
      %dma_start3A = arith.constant 0 : i32
      %dma_start3A_17 = tpu.memref_slice %arg9[%dma_start3A] : memref<10000xi32, #tpu.memory_space<vmem>> -> memref<40xi32, #tpu.memory_space<vmem>>
      %dma_start3A_18 = arith.constant 0 : i32
      %dma_start3A_19 = arith.constant 0 : i32
      %dma_start3A_20 = tpu.memref_slice %arg8[%dma_start3A_18, %dma_start3A_19] : memref<10000x128xi32, #tpu.memory_space<vmem_shared>> -> memref<10000x128xi32, #tpu.memory_space<vmem_shared>>
      tpu.enqueue_indirect_dma source(%dma_start3A_20 : memref<10000x128xi32, #tpu.memory_space<vmem_shared>>) target(%arg10 : memref<40x128xi32, #tpu.memory_space<vmem>>) offsets(%dma_start3A_17 : memref<40xi32, #tpu.memory_space<vmem>>) semaphore(%arg15 : memref<!tpu.dma_semaphore, #tpu.memory_space<semaphore_mem>>)
      %dma_start3A_21 = arith.constant 40 : i32
      %dma_start3A_22 = tpu.memref_slice %arg9[%dma_start3A_21] : memref<10000xi32, #tpu.memory_space<vmem>> -> memref<40xi32, #tpu.memory_space<vmem>>
      %dma_start3A_23 = arith.constant 0 : i32
      %dma_start3A_24 = arith.constant 0 : i32
      %dma_start3A_25 = tpu.memref_slice %arg8[%dma_start3A_23, %dma_start3A_24] : memref<10000x128xi32, #tpu.memory_space<vmem_shared>> -> memref<10000x128xi32, #tpu.memory_space<vmem_shared>>
      tpu.enqueue_indirect_dma source(%dma_start3A_25 : memref<10000x128xi32, #tpu.memory_space<vmem_shared>>) target(%arg11 : memref<40x128xi32, #tpu.memory_space<vmem>>) offsets(%dma_start3A_22 : memref<40xi32, #tpu.memory_space<vmem>>) semaphore(%arg16 : memref<!tpu.dma_semaphore, #tpu.memory_space<semaphore_mem>>)
      %dma_start3A_26 = arith.constant 80 : i32
      %dma_start3A_27 = tpu.memref_slice %arg9[%dma_start3A_26] : memref<10000xi32, #tpu.memory_space<vmem>> -> memref<40xi32, #tpu.memory_space<vmem>>
      %dma_start3A_28 = arith.constant 0 : i32
      %dma_start3A_29 = arith.constant 0 : i32
      %dma_start3A_30 = tpu.memref_slice %arg8[%dma_start3A_28, %dma_start3A_29] : memref<10000x128xi32, #tpu.memory_space<vmem_shared>> -> memref<10000x128xi32, #tpu.memory_space<vmem_shared>>
      tpu.enqueue_indirect_dma source(%dma_start3A_30 : memref<10000x128xi32, #tpu.memory_space<vmem_shared>>) target(%arg12 : memref<40x128xi32, #tpu.memory_space<vmem>>) offsets(%dma_start3A_27 : memref<40xi32, #tpu.memory_space<vmem>>) semaphore(%arg17 : memref<!tpu.dma_semaphore, #tpu.memory_space<semaphore_mem>>)
      %scan3A = arith.constant 0 : i32
      %scan3A_31 = arith.constant 0 : i32
      %scan3A_32 = arith.constant 50 : i32
      %scan3A_33 = arith.addi %scan3A_31, %scan3A_32 : i32
      %scan3A_34 = arith.constant 1 : i32
      scf.for %scan3A_65 = %scan3A_31 to %scan3A_33 step %scan3A_34  : i32 {
        %mul3A_66 = arith.constant 5 : i32
        %mul3A_67 = arith.muli %mul3A_66, %scan3A_65 : i32
        %add3A = arith.constant 0 : i32
        %add3A_68 = arith.addi %mul3A_67, %add3A : i32
        %mul3A_69 = arith.constant 10000 : i32
        %mul3A_70 = arith.muli %arg1, %mul3A_69 : i32
        %mul3A_71 = arith.constant 40 : i32
        %mul3A_72 = arith.muli %add3A_68, %mul3A_71 : i32
        %add3A_73 = arith.addi %mul3A_70, %mul3A_72 : i32
        %mul3A_74 = arith.constant 40 : i32
        %mul3A_75 = arith.muli %add3A_68, %mul3A_74 : i32
        %dma_wait3A_76 = tpu.memref_slice %arg9[%mul3A_75] : memref<10000xi32, #tpu.memory_space<vmem>> -> memref<40xi32, #tpu.memory_space<vmem>>
        %dma_wait3A_77 = arith.constant 0 : i32
        %dma_wait3A_78 = arith.constant 0 : i32
        %dma_wait3A_79 = tpu.memref_slice %arg8[%dma_wait3A_77, %dma_wait3A_78] : memref<10000x128xi32, #tpu.memory_space<vmem_shared>> -> memref<10000x128xi32, #tpu.memory_space<vmem_shared>>
        tpu.wait_indirect_dma semaphore(%arg15 : memref<!tpu.dma_semaphore, #tpu.memory_space<semaphore_mem>>) src(%dma_wait3A_79 : memref<10000x128xi32, #tpu.memory_space<vmem_shared>>) dst(%arg10 : memref<40x128xi32, #tpu.memory_space<vmem>>)
        %dma_start3A_80 = arith.constant 0 : i32
        %dma_start3A_81 = tpu.memref_slice %arg7[%add3A_73, %dma_start3A_80] : memref<160000x128xi32, #tpu.memory_space<hbm>> -> memref<40x128xi32, #tpu.memory_space<hbm>>
        %dma_start3A_82 = arith.constant 0 : i32
        %dma_start3A_83 = tpu.memref_slice %arg7[%add3A_73, %dma_start3A_82] : memref<160000x128xi32, #tpu.memory_space<hbm>> -> memref<40x128xi32, #tpu.memory_space<hbm>>
        tpu.enqueue_dma source(%arg10 : memref<40x128xi32, #tpu.memory_space<vmem>>) target(%dma_start3A_83 : memref<40x128xi32, #tpu.memory_space<hbm>>) target_semaphore(%arg20 : memref<!tpu.dma_semaphore, #tpu.memory_space<semaphore_mem>>)
        %add3A_84 = arith.constant 3 : i32
        %add3A_85 = arith.addi %add3A_68, %add3A_84 : i32
        %lt3A = arith.constant 250 : i32
        %lt3A_86 = arith.cmpi slt, %add3A_85, %lt3A : i32
        %convert_element_type3A_87 = arith.extui %lt3A_86 : i1 to i32
        %cond3A_88 = arith.constant 0 : i32
        %cond3A_89 = arith.cmpi ne, %convert_element_type3A_87, %cond3A_88 : i32
        scf.if %cond3A_89 {
          %ge3A = arith.constant 5 : i32
          %ge3A_186 = arith.cmpi sge, %add3A_85, %ge3A : i32
          %convert_element_type3A_187 = arith.extui %ge3A_186 : i1 to i32
          %cond3A_188 = arith.constant 0 : i32
          %cond3A_189 = arith.cmpi ne, %convert_element_type3A_187, %cond3A_188 : i32
          scf.if %cond3A_189 {
            %dma_wait3A_196 = arith.constant 0 : i32
            %dma_wait3A_197 = arith.constant 0 : i32
            %dma_wait3A_198 = tpu.memref_slice %arg7[%dma_wait3A_196, %dma_wait3A_197] : memref<160000x128xi32, #tpu.memory_space<hbm>> -> memref<40x128xi32, #tpu.memory_space<hbm>>
            %dma_wait3A_199 = arith.constant 0 : i32
            %dma_wait3A_200 = arith.constant 0 : i32
            %dma_wait3A_201 = tpu.memref_slice %arg7[%dma_wait3A_199, %dma_wait3A_200] : memref<160000x128xi32, #tpu.memory_space<hbm>> -> memref<40x128xi32, #tpu.memory_space<hbm>>
            tpu.wait_dma2 semaphore(%arg23 : memref<!tpu.dma_semaphore, #tpu.memory_space<semaphore_mem>>) src(%arg13 : memref<40x128xi32, #tpu.memory_space<vmem>>) dst(%dma_wait3A_201 : memref<40x128xi32, #tpu.memory_space<hbm>>)
          } else {
          }
          %mul3A_190 = arith.constant 40 : i32
          %mul3A_191 = arith.muli %add3A_85, %mul3A_190 : i32
          %dma_start3A_192 = tpu.memref_slice %arg9[%mul3A_191] : memref<10000xi32, #tpu.memory_space<vmem>> -> memref<40xi32, #tpu.memory_space<vmem>>
          %dma_start3A_193 = arith.constant 0 : i32
          %dma_start3A_194 = arith.constant 0 : i32
          %dma_start3A_195 = tpu.memref_slice %arg8[%dma_start3A_193, %dma_start3A_194] : memref<10000x128xi32, #tpu.memory_space<vmem_shared>> -> memref<10000x128xi32, #tpu.memory_space<vmem_shared>>
          tpu.enqueue_indirect_dma source(%dma_start3A_195 : memref<10000x128xi32, #tpu.memory_space<vmem_shared>>) target(%arg13 : memref<40x128xi32, #tpu.memory_space<vmem>>) offsets(%dma_start3A_192 : memref<40xi32, #tpu.memory_space<vmem>>) semaphore(%arg18 : memref<!tpu.dma_semaphore, #tpu.memory_space<semaphore_mem>>)
        } else {
        }
        %add3A_90 = arith.constant 1 : i32
        %add3A_91 = arith.addi %mul3A_67, %add3A_90 : i32
        %mul3A_92 = arith.constant 10000 : i32
        %mul3A_93 = arith.muli %arg1, %mul3A_92 : i32
        %mul3A_94 = arith.constant 40 : i32
        %mul3A_95 = arith.muli %add3A_91, %mul3A_94 : i32
        %add3A_96 = arith.addi %mul3A_93, %mul3A_95 : i32
        %mul3A_97 = arith.constant 40 : i32
        %mul3A_98 = arith.muli %add3A_91, %mul3A_97 : i32
        %dma_wait3A_99 = tpu.memref_slice %arg9[%mul3A_98] : memref<10000xi32, #tpu.memory_space<vmem>> -> memref<40xi32, #tpu.memory_space<vmem>>
        %dma_wait3A_100 = arith.constant 0 : i32
        %dma_wait3A_101 = arith.constant 0 : i32
        %dma_wait3A_102 = tpu.memref_slice %arg8[%dma_wait3A_100, %dma_wait3A_101] : memref<10000x128xi32, #tpu.memory_space<vmem_shared>> -> memref<10000x128xi32, #tpu.memory_space<vmem_shared>>
        tpu.wait_indirect_dma semaphore(%arg16 : memref<!tpu.dma_semaphore, #tpu.memory_space<semaphore_mem>>) src(%dma_wait3A_102 : memref<10000x128xi32, #tpu.memory_space<vmem_shared>>) dst(%arg11 : memref<40x128xi32, #tpu.memory_space<vmem>>)
        %dma_start3A_103 = arith.constant 0 : i32
        %dma_start3A_104 = tpu.memref_slice %arg7[%add3A_96, %dma_start3A_103] : memref<160000x128xi32, #tpu.memory_space<hbm>> -> memref<40x128xi32, #tpu.memory_space<hbm>>
        %dma_start3A_105 = arith.constant 0 : i32
        %dma_start3A_106 = tpu.memref_slice %arg7[%add3A_96, %dma_start3A_105] : memref<160000x128xi32, #tpu.memory_space<hbm>> -> memref<40x128xi32, #tpu.memory_space<hbm>>
        tpu.enqueue_dma source(%arg11 : memref<40x128xi32, #tpu.memory_space<vmem>>) target(%dma_start3A_106 : memref<40x128xi32, #tpu.memory_space<hbm>>) target_semaphore(%arg21 : memref<!tpu.dma_semaphore, #tpu.memory_space<semaphore_mem>>)
        %add3A_107 = arith.constant 3 : i32
        %add3A_108 = arith.addi %add3A_91, %add3A_107 : i32
        %lt3A_109 = arith.constant 250 : i32
        %lt3A_110 = arith.cmpi slt, %add3A_108, %lt3A_109 : i32
        %convert_element_type3A_111 = arith.extui %lt3A_110 : i1 to i32
        %cond3A_112 = arith.constant 0 : i32
        %cond3A_113 = arith.cmpi ne, %convert_element_type3A_111, %cond3A_112 : i32
        scf.if %cond3A_113 {
          %ge3A = arith.constant 5 : i32
          %ge3A_186 = arith.cmpi sge, %add3A_108, %ge3A : i32
          %convert_element_type3A_187 = arith.extui %ge3A_186 : i1 to i32
          %cond3A_188 = arith.constant 0 : i32
          %cond3A_189 = arith.cmpi ne, %convert_element_type3A_187, %cond3A_188 : i32
          scf.if %cond3A_189 {
            %dma_wait3A_196 = arith.constant 0 : i32
            %dma_wait3A_197 = arith.constant 0 : i32
            %dma_wait3A_198 = tpu.memref_slice %arg7[%dma_wait3A_196, %dma_wait3A_197] : memref<160000x128xi32, #tpu.memory_space<hbm>> -> memref<40x128xi32, #tpu.memory_space<hbm>>
            %dma_wait3A_199 = arith.constant 0 : i32
            %dma_wait3A_200 = arith.constant 0 : i32
            %dma_wait3A_201 = tpu.memref_slice %arg7[%dma_wait3A_199, %dma_wait3A_200] : memref<160000x128xi32, #tpu.memory_space<hbm>> -> memref<40x128xi32, #tpu.memory_space<hbm>>
            tpu.wait_dma2 semaphore(%arg24 : memref<!tpu.dma_semaphore, #tpu.memory_space<semaphore_mem>>) src(%arg14 : memref<40x128xi32, #tpu.memory_space<vmem>>) dst(%dma_wait3A_201 : memref<40x128xi32, #tpu.memory_space<hbm>>)
          } else {
          }
          %mul3A_190 = arith.constant 40 : i32
          %mul3A_191 = arith.muli %add3A_108, %mul3A_190 : i32
          %dma_start3A_192 = tpu.memref_slice %arg9[%mul3A_191] : memref<10000xi32, #tpu.memory_space<vmem>> -> memref<40xi32, #tpu.memory_space<vmem>>
          %dma_start3A_193 = arith.constant 0 : i32
          %dma_start3A_194 = arith.constant 0 : i32
          %dma_start3A_195 = tpu.memref_slice %arg8[%dma_start3A_193, %dma_start3A_194] : memref<10000x128xi32, #tpu.memory_space<vmem_shared>> -> memref<10000x128xi32, #tpu.memory_space<vmem_shared>>
          tpu.enqueue_indirect_dma source(%dma_start3A_195 : memref<10000x128xi32, #tpu.memory_space<vmem_shared>>) target(%arg14 : memref<40x128xi32, #tpu.memory_space<vmem>>) offsets(%dma_start3A_192 : memref<40xi32, #tpu.memory_space<vmem>>) semaphore(%arg19 : memref<!tpu.dma_semaphore, #tpu.memory_space<semaphore_mem>>)
        } else {
        }
        %add3A_114 = arith.constant 2 : i32
        %add3A_115 = arith.addi %mul3A_67, %add3A_114 : i32
        %mul3A_116 = arith.constant 10000 : i32
        %mul3A_117 = arith.muli %arg1, %mul3A_116 : i32
        %mul3A_118 = arith.constant 40 : i32
        %mul3A_119 = arith.muli %add3A_115, %mul3A_118 : i32
        %add3A_120 = arith.addi %mul3A_117, %mul3A_119 : i32
        %mul3A_121 = arith.constant 40 : i32
        %mul3A_122 = arith.muli %add3A_115, %mul3A_121 : i32
        %dma_wait3A_123 = tpu.memref_slice %arg9[%mul3A_122] : memref<10000xi32, #tpu.memory_space<vmem>> -> memref<40xi32, #tpu.memory_space<vmem>>
        %dma_wait3A_124 = arith.constant 0 : i32
        %dma_wait3A_125 = arith.constant 0 : i32
        %dma_wait3A_126 = tpu.memref_slice %arg8[%dma_wait3A_124, %dma_wait3A_125] : memref<10000x128xi32, #tpu.memory_space<vmem_shared>> -> memref<10000x128xi32, #tpu.memory_space<vmem_shared>>
        tpu.wait_indirect_dma semaphore(%arg17 : memref<!tpu.dma_semaphore, #tpu.memory_space<semaphore_mem>>) src(%dma_wait3A_126 : memref<10000x128xi32, #tpu.memory_space<vmem_shared>>) dst(%arg12 : memref<40x128xi32, #tpu.memory_space<vmem>>)
        %dma_start3A_127 = arith.constant 0 : i32
        %dma_start3A_128 = tpu.memref_slice %arg7[%add3A_120, %dma_start3A_127] : memref<160000x128xi32, #tpu.memory_space<hbm>> -> memref<40x128xi32, #tpu.memory_space<hbm>>
        %dma_start3A_129 = arith.constant 0 : i32
        %dma_start3A_130 = tpu.memref_slice %arg7[%add3A_120, %dma_start3A_129] : memref<160000x128xi32, #tpu.memory_space<hbm>> -> memref<40x128xi32, #tpu.memory_space<hbm>>
        tpu.enqueue_dma source(%arg12 : memref<40x128xi32, #tpu.memory_space<vmem>>) target(%dma_start3A_130 : memref<40x128xi32, #tpu.memory_space<hbm>>) target_semaphore(%arg22 : memref<!tpu.dma_semaphore, #tpu.memory_space<semaphore_mem>>)
        %add3A_131 = arith.constant 3 : i32
        %add3A_132 = arith.addi %add3A_115, %add3A_131 : i32
        %lt3A_133 = arith.constant 250 : i32
        %lt3A_134 = arith.cmpi slt, %add3A_132, %lt3A_133 : i32
        %convert_element_type3A_135 = arith.extui %lt3A_134 : i1 to i32
        %cond3A_136 = arith.constant 0 : i32
        %cond3A_137 = arith.cmpi ne, %convert_element_type3A_135, %cond3A_136 : i32
        scf.if %cond3A_137 {
          %ge3A = arith.constant 5 : i32
          %ge3A_186 = arith.cmpi sge, %add3A_132, %ge3A : i32
          %convert_element_type3A_187 = arith.extui %ge3A_186 : i1 to i32
          %cond3A_188 = arith.constant 0 : i32
          %cond3A_189 = arith.cmpi ne, %convert_element_type3A_187, %cond3A_188 : i32
          scf.if %cond3A_189 {
            %dma_wait3A_196 = arith.constant 0 : i32
            %dma_wait3A_197 = arith.constant 0 : i32
            %dma_wait3A_198 = tpu.memref_slice %arg7[%dma_wait3A_196, %dma_wait3A_197] : memref<160000x128xi32, #tpu.memory_space<hbm>> -> memref<40x128xi32, #tpu.memory_space<hbm>>
            %dma_wait3A_199 = arith.constant 0 : i32
            %dma_wait3A_200 = arith.constant 0 : i32
            %dma_wait3A_201 = tpu.memref_slice %arg7[%dma_wait3A_199, %dma_wait3A_200] : memref<160000x128xi32, #tpu.memory_space<hbm>> -> memref<40x128xi32, #tpu.memory_space<hbm>>
            tpu.wait_dma2 semaphore(%arg20 : memref<!tpu.dma_semaphore, #tpu.memory_space<semaphore_mem>>) src(%arg10 : memref<40x128xi32, #tpu.memory_space<vmem>>) dst(%dma_wait3A_201 : memref<40x128xi32, #tpu.memory_space<hbm>>)
          } else {
          }
          %mul3A_190 = arith.constant 40 : i32
          %mul3A_191 = arith.muli %add3A_132, %mul3A_190 : i32
          %dma_start3A_192 = tpu.memref_slice %arg9[%mul3A_191] : memref<10000xi32, #tpu.memory_space<vmem>> -> memref<40xi32, #tpu.memory_space<vmem>>
          %dma_start3A_193 = arith.constant 0 : i32
          %dma_start3A_194 = arith.constant 0 : i32
          %dma_start3A_195 = tpu.memref_slice %arg8[%dma_start3A_193, %dma_start3A_194] : memref<10000x128xi32, #tpu.memory_space<vmem_shared>> -> memref<10000x128xi32, #tpu.memory_space<vmem_shared>>
          tpu.enqueue_indirect_dma source(%dma_start3A_195 : memref<10000x128xi32, #tpu.memory_space<vmem_shared>>) target(%arg10 : memref<40x128xi32, #tpu.memory_space<vmem>>) offsets(%dma_start3A_192 : memref<40xi32, #tpu.memory_space<vmem>>) semaphore(%arg15 : memref<!tpu.dma_semaphore, #tpu.memory_space<semaphore_mem>>)
        } else {
        }
        %add3A_138 = arith.constant 3 : i32
        %add3A_139 = arith.addi %mul3A_67, %add3A_138 : i32
        %mul3A_140 = arith.constant 10000 : i32
        %mul3A_141 = arith.muli %arg1, %mul3A_140 : i32
        %mul3A_142 = arith.constant 40 : i32
        %mul3A_143 = arith.muli %add3A_139, %mul3A_142 : i32
        %add3A_144 = arith.addi %mul3A_141, %mul3A_143 : i32
        %mul3A_145 = arith.constant 40 : i32
        %mul3A_146 = arith.muli %add3A_139, %mul3A_145 : i32
        %dma_wait3A_147 = tpu.memref_slice %arg9[%mul3A_146] : memref<10000xi32, #tpu.memory_space<vmem>> -> memref<40xi32, #tpu.memory_space<vmem>>
        %dma_wait3A_148 = arith.constant 0 : i32
        %dma_wait3A_149 = arith.constant 0 : i32
        %dma_wait3A_150 = tpu.memref_slice %arg8[%dma_wait3A_148, %dma_wait3A_149] : memref<10000x128xi32, #tpu.memory_space<vmem_shared>> -> memref<10000x128xi32, #tpu.memory_space<vmem_shared>>
        tpu.wait_indirect_dma semaphore(%arg18 : memref<!tpu.dma_semaphore, #tpu.memory_space<semaphore_mem>>) src(%dma_wait3A_150 : memref<10000x128xi32, #tpu.memory_space<vmem_shared>>) dst(%arg13 : memref<40x128xi32, #tpu.memory_space<vmem>>)
        %dma_start3A_151 = arith.constant 0 : i32
        %dma_start3A_152 = tpu.memref_slice %arg7[%add3A_144, %dma_start3A_151] : memref<160000x128xi32, #tpu.memory_space<hbm>> -> memref<40x128xi32, #tpu.memory_space<hbm>>
        %dma_start3A_153 = arith.constant 0 : i32
        %dma_start3A_154 = tpu.memref_slice %arg7[%add3A_144, %dma_start3A_153] : memref<160000x128xi32, #tpu.memory_space<hbm>> -> memref<40x128xi32, #tpu.memory_space<hbm>>
        tpu.enqueue_dma source(%arg13 : memref<40x128xi32, #tpu.memory_space<vmem>>) target(%dma_start3A_154 : memref<40x128xi32, #tpu.memory_space<hbm>>) target_semaphore(%arg23 : memref<!tpu.dma_semaphore, #tpu.memory_space<semaphore_mem>>)
        %add3A_155 = arith.constant 3 : i32
        %add3A_156 = arith.addi %add3A_139, %add3A_155 : i32
        %lt3A_157 = arith.constant 250 : i32
        %lt3A_158 = arith.cmpi slt, %add3A_156, %lt3A_157 : i32
        %convert_element_type3A_159 = arith.extui %lt3A_158 : i1 to i32
        %cond3A_160 = arith.constant 0 : i32
        %cond3A_161 = arith.cmpi ne, %convert_element_type3A_159, %cond3A_160 : i32
        scf.if %cond3A_161 {
          %ge3A = arith.constant 5 : i32
          %ge3A_186 = arith.cmpi sge, %add3A_156, %ge3A : i32
          %convert_element_type3A_187 = arith.extui %ge3A_186 : i1 to i32
          %cond3A_188 = arith.constant 0 : i32
          %cond3A_189 = arith.cmpi ne, %convert_element_type3A_187, %cond3A_188 : i32
          scf.if %cond3A_189 {
            %dma_wait3A_196 = arith.constant 0 : i32
            %dma_wait3A_197 = arith.constant 0 : i32
            %dma_wait3A_198 = tpu.memref_slice %arg7[%dma_wait3A_196, %dma_wait3A_197] : memref<160000x128xi32, #tpu.memory_space<hbm>> -> memref<40x128xi32, #tpu.memory_space<hbm>>
            %dma_wait3A_199 = arith.constant 0 : i32
            %dma_wait3A_200 = arith.constant 0 : i32
            %dma_wait3A_201 = tpu.memref_slice %arg7[%dma_wait3A_199, %dma_wait3A_200] : memref<160000x128xi32, #tpu.memory_space<hbm>> -> memref<40x128xi32, #tpu.memory_space<hbm>>
            tpu.wait_dma2 semaphore(%arg21 : memref<!tpu.dma_semaphore, #tpu.memory_space<semaphore_mem>>) src(%arg11 : memref<40x128xi32, #tpu.memory_space<vmem>>) dst(%dma_wait3A_201 : memref<40x128xi32, #tpu.memory_space<hbm>>)
          } else {
          }
          %mul3A_190 = arith.constant 40 : i32
          %mul3A_191 = arith.muli %add3A_156, %mul3A_190 : i32
          %dma_start3A_192 = tpu.memref_slice %arg9[%mul3A_191] : memref<10000xi32, #tpu.memory_space<vmem>> -> memref<40xi32, #tpu.memory_space<vmem>>
          %dma_start3A_193 = arith.constant 0 : i32
          %dma_start3A_194 = arith.constant 0 : i32
          %dma_start3A_195 = tpu.memref_slice %arg8[%dma_start3A_193, %dma_start3A_194] : memref<10000x128xi32, #tpu.memory_space<vmem_shared>> -> memref<10000x128xi32, #tpu.memory_space<vmem_shared>>
          tpu.enqueue_indirect_dma source(%dma_start3A_195 : memref<10000x128xi32, #tpu.memory_space<vmem_shared>>) target(%arg11 : memref<40x128xi32, #tpu.memory_space<vmem>>) offsets(%dma_start3A_192 : memref<40xi32, #tpu.memory_space<vmem>>) semaphore(%arg16 : memref<!tpu.dma_semaphore, #tpu.memory_space<semaphore_mem>>)
        } else {
        }
        %add3A_162 = arith.constant 4 : i32
        %add3A_163 = arith.addi %mul3A_67, %add3A_162 : i32
        %mul3A_164 = arith.constant 10000 : i32
        %mul3A_165 = arith.muli %arg1, %mul3A_164 : i32
        %mul3A_166 = arith.constant 40 : i32
        %mul3A_167 = arith.muli %add3A_163, %mul3A_166 : i32
        %add3A_168 = arith.addi %mul3A_165, %mul3A_167 : i32
        %mul3A_169 = arith.constant 40 : i32
        %mul3A_170 = arith.muli %add3A_163, %mul3A_169 : i32
        %dma_wait3A_171 = tpu.memref_slice %arg9[%mul3A_170] : memref<10000xi32, #tpu.memory_space<vmem>> -> memref<40xi32, #tpu.memory_space<vmem>>
        %dma_wait3A_172 = arith.constant 0 : i32
        %dma_wait3A_173 = arith.constant 0 : i32
        %dma_wait3A_174 = tpu.memref_slice %arg8[%dma_wait3A_172, %dma_wait3A_173] : memref<10000x128xi32, #tpu.memory_space<vmem_shared>> -> memref<10000x128xi32, #tpu.memory_space<vmem_shared>>
        tpu.wait_indirect_dma semaphore(%arg19 : memref<!tpu.dma_semaphore, #tpu.memory_space<semaphore_mem>>) src(%dma_wait3A_174 : memref<10000x128xi32, #tpu.memory_space<vmem_shared>>) dst(%arg14 : memref<40x128xi32, #tpu.memory_space<vmem>>)
        %dma_start3A_175 = arith.constant 0 : i32
        %dma_start3A_176 = tpu.memref_slice %arg7[%add3A_168, %dma_start3A_175] : memref<160000x128xi32, #tpu.memory_space<hbm>> -> memref<40x128xi32, #tpu.memory_space<hbm>>
        %dma_start3A_177 = arith.constant 0 : i32
        %dma_start3A_178 = tpu.memref_slice %arg7[%add3A_168, %dma_start3A_177] : memref<160000x128xi32, #tpu.memory_space<hbm>> -> memref<40x128xi32, #tpu.memory_space<hbm>>
        tpu.enqueue_dma source(%arg14 : memref<40x128xi32, #tpu.memory_space<vmem>>) target(%dma_start3A_178 : memref<40x128xi32, #tpu.memory_space<hbm>>) target_semaphore(%arg24 : memref<!tpu.dma_semaphore, #tpu.memory_space<semaphore_mem>>)
        %add3A_179 = arith.constant 3 : i32
        %add3A_180 = arith.addi %add3A_163, %add3A_179 : i32
        %lt3A_181 = arith.constant 250 : i32
        %lt3A_182 = arith.cmpi slt, %add3A_180, %lt3A_181 : i32
        %convert_element_type3A_183 = arith.extui %lt3A_182 : i1 to i32
        %cond3A_184 = arith.constant 0 : i32
        %cond3A_185 = arith.cmpi ne, %convert_element_type3A_183, %cond3A_184 : i32
        scf.if %cond3A_185 {
          %ge3A = arith.constant 5 : i32
          %ge3A_186 = arith.cmpi sge, %add3A_180, %ge3A : i32
          %convert_element_type3A_187 = arith.extui %ge3A_186 : i1 to i32
          %cond3A_188 = arith.constant 0 : i32
          %cond3A_189 = arith.cmpi ne, %convert_element_type3A_187, %cond3A_188 : i32
          scf.if %cond3A_189 {
            %dma_wait3A_196 = arith.constant 0 : i32
            %dma_wait3A_197 = arith.constant 0 : i32
            %dma_wait3A_198 = tpu.memref_slice %arg7[%dma_wait3A_196, %dma_wait3A_197] : memref<160000x128xi32, #tpu.memory_space<hbm>> -> memref<40x128xi32, #tpu.memory_space<hbm>>
            %dma_wait3A_199 = arith.constant 0 : i32
            %dma_wait3A_200 = arith.constant 0 : i32
            %dma_wait3A_201 = tpu.memref_slice %arg7[%dma_wait3A_199, %dma_wait3A_200] : memref<160000x128xi32, #tpu.memory_space<hbm>> -> memref<40x128xi32, #tpu.memory_space<hbm>>
            tpu.wait_dma2 semaphore(%arg22 : memref<!tpu.dma_semaphore, #tpu.memory_space<semaphore_mem>>) src(%arg12 : memref<40x128xi32, #tpu.memory_space<vmem>>) dst(%dma_wait3A_201 : memref<40x128xi32, #tpu.memory_space<hbm>>)
          } else {
          }
          %mul3A_190 = arith.constant 40 : i32
          %mul3A_191 = arith.muli %add3A_180, %mul3A_190 : i32
          %dma_start3A_192 = tpu.memref_slice %arg9[%mul3A_191] : memref<10000xi32, #tpu.memory_space<vmem>> -> memref<40xi32, #tpu.memory_space<vmem>>
          %dma_start3A_193 = arith.constant 0 : i32
          %dma_start3A_194 = arith.constant 0 : i32
          %dma_start3A_195 = tpu.memref_slice %arg8[%dma_start3A_193, %dma_start3A_194] : memref<10000x128xi32, #tpu.memory_space<vmem_shared>> -> memref<10000x128xi32, #tpu.memory_space<vmem_shared>>
          tpu.enqueue_indirect_dma source(%dma_start3A_195 : memref<10000x128xi32, #tpu.memory_space<vmem_shared>>) target(%arg12 : memref<40x128xi32, #tpu.memory_space<vmem>>) offsets(%dma_start3A_192 : memref<40xi32, #tpu.memory_space<vmem>>) semaphore(%arg17 : memref<!tpu.dma_semaphore, #tpu.memory_space<semaphore_mem>>)
        } else {
        }
      }
      %scan3A_35 = arith.constant 50 : i32
      %dma_wait3A = arith.constant 0 : i32
      %dma_wait3A_36 = arith.constant 0 : i32
      %dma_wait3A_37 = tpu.memref_slice %arg7[%dma_wait3A, %dma_wait3A_36] : memref<160000x128xi32, #tpu.memory_space<hbm>> -> memref<40x128xi32, #tpu.memory_space<hbm>>
      %dma_wait3A_38 = arith.constant 0 : i32
      %dma_wait3A_39 = arith.constant 0 : i32
      %dma_wait3A_40 = tpu.memref_slice %arg7[%dma_wait3A_38, %dma_wait3A_39] : memref<160000x128xi32, #tpu.memory_space<hbm>> -> memref<40x128xi32, #tpu.memory_space<hbm>>
      tpu.wait_dma2 semaphore(%arg20 : memref<!tpu.dma_semaphore, #tpu.memory_space<semaphore_mem>>) src(%arg10 : memref<40x128xi32, #tpu.memory_space<vmem>>) dst(%dma_wait3A_40 : memref<40x128xi32, #tpu.memory_space<hbm>>)
      %dma_wait3A_41 = arith.constant 0 : i32
      %dma_wait3A_42 = arith.constant 0 : i32
      %dma_wait3A_43 = tpu.memref_slice %arg7[%dma_wait3A_41, %dma_wait3A_42] : memref<160000x128xi32, #tpu.memory_space<hbm>> -> memref<40x128xi32, #tpu.memory_space<hbm>>
      %dma_wait3A_44 = arith.constant 0 : i32
      %dma_wait3A_45 = arith.constant 0 : i32
      %dma_wait3A_46 = tpu.memref_slice %arg7[%dma_wait3A_44, %dma_wait3A_45] : memref<160000x128xi32, #tpu.memory_space<hbm>> -> memref<40x128xi32, #tpu.memory_space<hbm>>
      tpu.wait_dma2 semaphore(%arg21 : memref<!tpu.dma_semaphore, #tpu.memory_space<semaphore_mem>>) src(%arg11 : memref<40x128xi32, #tpu.memory_space<vmem>>) dst(%dma_wait3A_46 : memref<40x128xi32, #tpu.memory_space<hbm>>)
      %dma_wait3A_47 = arith.constant 0 : i32
      %dma_wait3A_48 = arith.constant 0 : i32
      %dma_wait3A_49 = tpu.memref_slice %arg7[%dma_wait3A_47, %dma_wait3A_48] : memref<160000x128xi32, #tpu.memory_space<hbm>> -> memref<40x128xi32, #tpu.memory_space<hbm>>
      %dma_wait3A_50 = arith.constant 0 : i32
      %dma_wait3A_51 = arith.constant 0 : i32
      %dma_wait3A_52 = tpu.memref_slice %arg7[%dma_wait3A_50, %dma_wait3A_51] : memref<160000x128xi32, #tpu.memory_space<hbm>> -> memref<40x128xi32, #tpu.memory_space<hbm>>
      tpu.wait_dma2 semaphore(%arg22 : memref<!tpu.dma_semaphore, #tpu.memory_space<semaphore_mem>>) src(%arg12 : memref<40x128xi32, #tpu.memory_space<vmem>>) dst(%dma_wait3A_52 : memref<40x128xi32, #tpu.memory_space<hbm>>)
      %dma_wait3A_53 = arith.constant 0 : i32
      %dma_wait3A_54 = arith.constant 0 : i32
      %dma_wait3A_55 = tpu.memref_slice %arg7[%dma_wait3A_53, %dma_wait3A_54] : memref<160000x128xi32, #tpu.memory_space<hbm>> -> memref<40x128xi32, #tpu.memory_space<hbm>>
      %dma_wait3A_56 = arith.constant 0 : i32
      %dma_wait3A_57 = arith.constant 0 : i32
      %dma_wait3A_58 = tpu.memref_slice %arg7[%dma_wait3A_56, %dma_wait3A_57] : memref<160000x128xi32, #tpu.memory_space<hbm>> -> memref<40x128xi32, #tpu.memory_space<hbm>>
      tpu.wait_dma2 semaphore(%arg23 : memref<!tpu.dma_semaphore, #tpu.memory_space<semaphore_mem>>) src(%arg13 : memref<40x128xi32, #tpu.memory_space<vmem>>) dst(%dma_wait3A_58 : memref<40x128xi32, #tpu.memory_space<hbm>>)
      %dma_wait3A_59 = arith.constant 0 : i32
      %dma_wait3A_60 = arith.constant 0 : i32
      %dma_wait3A_61 = tpu.memref_slice %arg7[%dma_wait3A_59, %dma_wait3A_60] : memref<160000x128xi32, #tpu.memory_space<hbm>> -> memref<40x128xi32, #tpu.memory_space<hbm>>
      %dma_wait3A_62 = arith.constant 0 : i32
      %dma_wait3A_63 = arith.constant 0 : i32
      %dma_wait3A_64 = tpu.memref_slice %arg7[%dma_wait3A_62, %dma_wait3A_63] : memref<160000x128xi32, #tpu.memory_space<hbm>> -> memref<40x128xi32, #tpu.memory_space<hbm>>
      tpu.wait_dma2 semaphore(%arg24 : memref<!tpu.dma_semaphore, #tpu.memory_space<semaphore_mem>>) src(%arg14 : memref<40x128xi32, #tpu.memory_space<vmem>>) dst(%dma_wait3A_64 : memref<40x128xi32, #tpu.memory_space<hbm>>)
    } else {
    }
    return
  }
}

module attributes {stable_mosaic.version = 14 : i64} {
  func.func @_fuse_body(%arg0: i32, %arg1: memref<2000x128xi32, #tpu.memory_space<vmem>>, %arg2: memref<2000x128xi32, #tpu.memory_space<vmem>>, %arg3: memref<2000x16xf32, #tpu.memory_space<vmem>>, %arg4: memref<16x256xf32, #tpu.memory_space<vmem>>, %arg5: memref<2000x256xf32, #tpu.memory_space<vmem>>) attributes {dimension_semantics = [#tpu.dimension_semantics<arbitrary>], iteration_bounds = array<i64: 80>, scalar_prefetch = 0 : i64, scratch_operands = 0 : i64, tpu.core_type = #tpu.core_type<tc>, window_params = [{transform_indices = @transform_0, window_bounds = array<i64: 2000, 128>}, {transform_indices = @transform_1, window_bounds = array<i64: 2000, 128>}, {transform_indices = @transform_2, window_bounds = array<i64: 2000, 16>}, {pipeline_mode = #tpu.pipeline_mode<synchronous>, transform_indices = @transform_3, window_bounds = array<i64: 16, 256>}, {transform_indices = @transform_4, window_bounds = array<i64: 2000, 256>}]} {
    %get3A = arith.constant 0 : index
    %get3A_0 = arith.constant 0 : index
    %get3A_1 = vector.load %arg3[%get3A, %get3A_0] : memref<2000x16xf32, #tpu.memory_space<vmem>>, vector<2000x16xf32>
    %get3A_2 = arith.constant 0 : index
    %get3A_3 = arith.constant 0 : index
    %get3A_4 = vector.load %arg4[%get3A_2, %get3A_3] : memref<16x256xf32, #tpu.memory_space<vmem>>, vector<16x256xf32>
    %dot_general3A = arith.constant dense<0.000000e+00> : vector<2000x256xf32>
    %dot_general3A_5 = tpu.matmul %get3A_1, %get3A_4, %dot_general3A {dimension_numbers = #tpu.dot_dimension_numbers<[1], [0], [0], [1], [0, 0, 1, 1], [], []>, transpose_lhs_hint = false} : vector<2000x16xf32>, vector<16x256xf32>, vector<2000x256xf32> -> vector<2000x256xf32>
    %get3A_6 = arith.constant 0 : index
    %get3A_7 = arith.constant 0 : index
    %get3A_8 = vector.load %arg1[%get3A_6, %get3A_7] : memref<2000x128xi32, #tpu.memory_space<vmem>>, vector<2000x128xi32>
    %bitcast_convert_type3A = tpu.bitcast %get3A_8 : vector<2000x128xi32> -> vector<2000x128xi32>
    %shift_left3A = arith.constant 16 : i32
    %shift_left3A_9 = vector.broadcast %shift_left3A : i32 to vector<2000x128xi32>
    %shift_left3A_10 = arith.shli %bitcast_convert_type3A, %shift_left3A_9 : vector<2000x128xi32>
    %bitcast_convert_type3A_11 = tpu.bitcast %shift_left3A_10 : vector<2000x128xi32> -> vector<2000x128xf32>
    %and3A = arith.constant -65536 : i32
    %and3A_12 = vector.broadcast %and3A : i32 to vector<2000x128xi32>
    %and3A_13 = arith.andi %bitcast_convert_type3A, %and3A_12 : vector<2000x128xi32>
    %bitcast_convert_type3A_14 = tpu.bitcast %and3A_13 : vector<2000x128xi32> -> vector<2000x128xf32>
    %get3A_15 = arith.constant 0 : index
    %get3A_16 = arith.constant 0 : index
    %get3A_17 = vector.load %arg2[%get3A_15, %get3A_16] : memref<2000x128xi32, #tpu.memory_space<vmem>>, vector<2000x128xi32>
    %bitcast_convert_type3A_18 = tpu.bitcast %get3A_17 : vector<2000x128xi32> -> vector<2000x128xi32>
    %shift_left3A_19 = arith.constant 16 : i32
    %shift_left3A_20 = vector.broadcast %shift_left3A_19 : i32 to vector<2000x128xi32>
    %shift_left3A_21 = arith.shli %bitcast_convert_type3A_18, %shift_left3A_20 : vector<2000x128xi32>
    %bitcast_convert_type3A_22 = tpu.bitcast %shift_left3A_21 : vector<2000x128xi32> -> vector<2000x128xf32>
    %and3A_23 = arith.constant -65536 : i32
    %and3A_24 = vector.broadcast %and3A_23 : i32 to vector<2000x128xi32>
    %and3A_25 = arith.andi %bitcast_convert_type3A_18, %and3A_24 : vector<2000x128xi32>
    %bitcast_convert_type3A_26 = tpu.bitcast %and3A_25 : vector<2000x128xi32> -> vector<2000x128xf32>
    %add3A = arith.addf %bitcast_convert_type3A_11, %bitcast_convert_type3A_22 : vector<2000x128xf32>
    %slice3A = vector.extract_strided_slice %dot_general3A_5 {offsets = [0, 0], sizes = [2000, 128], strides = [1, 1]} : vector<2000x256xf32> to vector<2000x128xf32>
    %add3A_27 = arith.addf %add3A, %slice3A : vector<2000x128xf32>
    %max3A = arith.constant 0.000000e+00 : f32
    %max3A_28 = vector.broadcast %max3A : f32 to vector<2000x128xf32>
    %max3A_29 = arith.maximumf %add3A_27, %max3A_28 : vector<2000x128xf32>
    %swap3A = arith.constant 0 : index
    %swap3A_30 = arith.constant 0 : index
    %swap3A_31 = vector.load %arg5[%swap3A, %swap3A_30] : memref<2000x256xf32, #tpu.memory_space<vmem>>, vector<2000x128xf32>
    tpu.vector_store %arg5[%swap3A, %swap3A_30], %max3A_29 {strides = array<i32>} : memref<2000x256xf32, #tpu.memory_space<vmem>>, vector<2000x128xf32>,
    %add3A_32 = arith.addf %bitcast_convert_type3A_14, %bitcast_convert_type3A_26 : vector<2000x128xf32>
    %slice3A_33 = vector.extract_strided_slice %dot_general3A_5 {offsets = [0, 128], sizes = [2000, 128], strides = [1, 1]} : vector<2000x256xf32> to vector<2000x128xf32>
    %add3A_34 = arith.addf %add3A_32, %slice3A_33 : vector<2000x128xf32>
    %max3A_35 = arith.constant 0.000000e+00 : f32
    %max3A_36 = vector.broadcast %max3A_35 : f32 to vector<2000x128xf32>
    %max3A_37 = arith.maximumf %add3A_34, %max3A_36 : vector<2000x128xf32>
    %swap3A_38 = arith.constant 0 : index
    %swap3A_39 = arith.constant 128 : index
    %swap3A_40 = vector.load %arg5[%swap3A_38, %swap3A_39] : memref<2000x256xf32, #tpu.memory_space<vmem>>, vector<2000x128xf32>
    tpu.vector_store %arg5[%swap3A_38, %swap3A_39], %max3A_37 {strides = array<i32>} : memref<2000x256xf32, #tpu.memory_space<vmem>>, vector<2000x128xf32>,
    return
  }
  func.func @transform_0(%arg0: i32) -> (i32, i32) {
    %c0_i32 = arith.constant 0 : i32
    %c0_i32_0 = arith.constant 0 : i32
    return %arg0, %c0_i32 : i32, i32
  }
  func.func @transform_1(%arg0: i32) -> (i32, i32) {
    %c0_i32 = arith.constant 0 : i32
    %c0_i32_0 = arith.constant 0 : i32
    return %arg0, %c0_i32 : i32, i32
  }
  func.func @transform_2(%arg0: i32) -> (i32, i32) {
    %c0_i32 = arith.constant 0 : i32
    %c0_i32_0 = arith.constant 0 : i32
    return %arg0, %c0_i32 : i32, i32
  }
  func.func @transform_3(%arg0: i32) -> (i32, i32) {
    %c0_i32 = arith.constant 0 : i32
    %c0_i32_0 = arith.constant 0 : i32
    %c0_i32_1 = arith.constant 0 : i32
    return %c0_i32, %c0_i32_0 : i32, i32
  }
  func.func @transform_4(%arg0: i32) -> (i32, i32) {
    %c0_i32 = arith.constant 0 : i32
    %c0_i32_0 = arith.constant 0 : i32
    return %arg0, %c0_i32 : i32, i32
  }
}

module attributes {stable_mosaic.version = 14 : i64} {
  func.func @_proj_body(%arg0: i32, %arg1: memref<1000x256xf32, #tpu.memory_space<vmem>>, %arg2: memref<256x256xf32, #tpu.memory_space<vmem>>, %arg3: memref<256x256xf32, #tpu.memory_space<vmem>>, %arg4: memref<1000x128xi32, #tpu.memory_space<vmem>>, %arg5: memref<1000x128xi32, #tpu.memory_space<vmem>>) attributes {dimension_semantics = [#tpu.dimension_semantics<arbitrary>], iteration_bounds = array<i64: 10>, scalar_prefetch = 0 : i64, scratch_operands = 0 : i64, tpu.core_type = #tpu.core_type<tc>, window_params = [{transform_indices = @transform_0, window_bounds = array<i64: 1000, 256>}, {pipeline_mode = #tpu.pipeline_mode<synchronous>, transform_indices = @transform_1, window_bounds = array<i64: 256, 256>}, {pipeline_mode = #tpu.pipeline_mode<synchronous>, transform_indices = @transform_2, window_bounds = array<i64: 256, 256>}, {transform_indices = @transform_3, window_bounds = array<i64: 1000, 128>}, {transform_indices = @transform_4, window_bounds = array<i64: 1000, 128>}]} {
    %get3A = arith.constant 0 : index
    %get3A_0 = arith.constant 0 : index
    %get3A_1 = vector.load %arg1[%get3A, %get3A_0] : memref<1000x256xf32, #tpu.memory_space<vmem>>, vector<1000x256xf32>
    %get3A_2 = arith.constant 0 : index
    %get3A_3 = arith.constant 0 : index
    %get3A_4 = vector.load %arg2[%get3A_2, %get3A_3] : memref<256x256xf32, #tpu.memory_space<vmem>>, vector<256x256xf32>
    %dot_general3A = arith.constant dense<0.000000e+00> : vector<1000x256xf32>
    %dot_general3A_5 = tpu.matmul %get3A_1, %get3A_4, %dot_general3A {dimension_numbers = #tpu.dot_dimension_numbers<[1], [0], [0], [1], [0, 0, 1, 1], [], []>, transpose_lhs_hint = false} : vector<1000x256xf32>, vector<256x256xf32>, vector<1000x256xf32> -> vector<1000x256xf32>
    %get3A_6 = arith.constant 0 : index
    %get3A_7 = arith.constant 0 : index
    %get3A_8 = vector.load %arg3[%get3A_6, %get3A_7] : memref<256x256xf32, #tpu.memory_space<vmem>>, vector<256x256xf32>
    %dot_general3A_9 = arith.constant dense<0.000000e+00> : vector<1000x256xf32>
    %dot_general3A_10 = tpu.matmul %get3A_1, %get3A_8, %dot_general3A_9 {dimension_numbers = #tpu.dot_dimension_numbers<[1], [0], [0], [1], [0, 0, 1, 1], [], []>, transpose_lhs_hint = false} : vector<1000x256xf32>, vector<256x256xf32>, vector<1000x256xf32> -> vector<1000x256xf32>
    %slice3A = vector.extract_strided_slice %dot_general3A_5 {offsets = [0, 0], sizes = [1000, 128], strides = [1, 1]} : vector<1000x256xf32> to vector<1000x128xf32>
    %slice3A_11 = vector.extract_strided_slice %dot_general3A_5 {offsets = [0, 128], sizes = [1000, 128], strides = [1, 1]} : vector<1000x256xf32> to vector<1000x128xf32>
    %convert_element_type3A = arith.truncf %slice3A : vector<1000x128xf32> to vector<1000x128xbf16>
    %convert_element_type3A_12 = arith.extf %convert_element_type3A : vector<1000x128xbf16> to vector<1000x128xf32>
    %bitcast_convert_type3A = tpu.bitcast %convert_element_type3A_12 : vector<1000x128xf32> -> vector<1000x128xi32>
    %convert_element_type3A_13 = arith.truncf %slice3A_11 : vector<1000x128xf32> to vector<1000x128xbf16>
    %convert_element_type3A_14 = arith.extf %convert_element_type3A_13 : vector<1000x128xbf16> to vector<1000x128xf32>
    %bitcast_convert_type3A_15 = tpu.bitcast %convert_element_type3A_14 : vector<1000x128xf32> -> vector<1000x128xi32>
    %shift_right_logical3A = arith.constant 16 : i32
    %shift_right_logical3A_16 = vector.broadcast %shift_right_logical3A : i32 to vector<1000x128xi32>
    %shift_right_logical3A_17 = arith.shrui %bitcast_convert_type3A, %shift_right_logical3A_16 : vector<1000x128xi32>
    %and3A = arith.constant -65536 : i32
    %and3A_18 = vector.broadcast %and3A : i32 to vector<1000x128xi32>
    %and3A_19 = arith.andi %bitcast_convert_type3A_15, %and3A_18 : vector<1000x128xi32>
    %or3A = arith.ori %shift_right_logical3A_17, %and3A_19 : vector<1000x128xi32>
    %bitcast_convert_type3A_20 = tpu.bitcast %or3A : vector<1000x128xi32> -> vector<1000x128xi32>
    %swap3A = arith.constant 0 : index
    %swap3A_21 = arith.constant 0 : index
    %swap3A_22 = vector.load %arg4[%swap3A, %swap3A_21] : memref<1000x128xi32, #tpu.memory_space<vmem>>, vector<1000x128xi32>
    tpu.vector_store %arg4[%swap3A, %swap3A_21], %bitcast_convert_type3A_20 {strides = array<i32>} : memref<1000x128xi32, #tpu.memory_space<vmem>>, vector<1000x128xi32>,
    %slice3A_23 = vector.extract_strided_slice %dot_general3A_10 {offsets = [0, 0], sizes = [1000, 128], strides = [1, 1]} : vector<1000x256xf32> to vector<1000x128xf32>
    %slice3A_24 = vector.extract_strided_slice %dot_general3A_10 {offsets = [0, 128], sizes = [1000, 128], strides = [1, 1]} : vector<1000x256xf32> to vector<1000x128xf32>
    %convert_element_type3A_25 = arith.truncf %slice3A_23 : vector<1000x128xf32> to vector<1000x128xbf16>
    %convert_element_type3A_26 = arith.extf %convert_element_type3A_25 : vector<1000x128xbf16> to vector<1000x128xf32>
    %bitcast_convert_type3A_27 = tpu.bitcast %convert_element_type3A_26 : vector<1000x128xf32> -> vector<1000x128xi32>
    %convert_element_type3A_28 = arith.truncf %slice3A_24 : vector<1000x128xf32> to vector<1000x128xbf16>
    %convert_element_type3A_29 = arith.extf %convert_element_type3A_28 : vector<1000x128xbf16> to vector<1000x128xf32>
    %bitcast_convert_type3A_30 = tpu.bitcast %convert_element_type3A_29 : vector<1000x128xf32> -> vector<1000x128xi32>
    %shift_right_logical3A_31 = arith.constant 16 : i32
    %shift_right_logical3A_32 = vector.broadcast %shift_right_logical3A_31 : i32 to vector<1000x128xi32>
    %shift_right_logical3A_33 = arith.shrui %bitcast_convert_type3A_27, %shift_right_logical3A_32 : vector<1000x128xi32>
    %and3A_34 = arith.constant -65536 : i32
    %and3A_35 = vector.broadcast %and3A_34 : i32 to vector<1000x128xi32>
    %and3A_36 = arith.andi %bitcast_convert_type3A_30, %and3A_35 : vector<1000x128xi32>
    %or3A_37 = arith.ori %shift_right_logical3A_33, %and3A_36 : vector<1000x128xi32>
    %bitcast_convert_type3A_38 = tpu.bitcast %or3A_37 : vector<1000x128xi32> -> vector<1000x128xi32>
    %swap3A_39 = arith.constant 0 : index
    %swap3A_40 = arith.constant 0 : index
    %swap3A_41 = vector.load %arg5[%swap3A_39, %swap3A_40] : memref<1000x128xi32, #tpu.memory_space<vmem>>, vector<1000x128xi32>
    tpu.vector_store %arg5[%swap3A_39, %swap3A_40], %bitcast_convert_type3A_38 {strides = array<i32>} : memref<1000x128xi32, #tpu.memory_space<vmem>>, vector<1000x128xi32>,
    return
  }
  func.func @transform_0(%arg0: i32) -> (i32, i32) {
    %c0_i32 = arith.constant 0 : i32
    %c0_i32_0 = arith.constant 0 : i32
    return %arg0, %c0_i32 : i32, i32
  }
  func.func @transform_1(%arg0: i32) -> (i32, i32) {
    %c0_i32 = arith.constant 0 : i32
    %c0_i32_0 = arith.constant 0 : i32
    %c0_i32_1 = arith.constant 0 : i32
    return %c0_i32, %c0_i32_0 : i32, i32
  }
  func.func @transform_2(%arg0: i32) -> (i32, i32) {
    %c0_i32 = arith.constant 0 : i32
    %c0_i32_0 = arith.constant 0 : i32
    %c0_i32_1 = arith.constant 0 : i32
    return %c0_i32, %c0_i32_0 : i32, i32
  }
  func.func @transform_3(%arg0: i32) -> (i32, i32) {
    %c0_i32 = arith.constant 0 : i32
    %c0_i32_0 = arith.constant 0 : i32
    return %arg0, %c0_i32 : i32, i32
  }
  func.func @transform_4(%arg0: i32) -> (i32, i32) {
    %c0_i32 = arith.constant 0 : i32
    %c0_i32_0 = arith.constant 0 : i32
    return %arg0, %c0_i32 : i32, i32
  }
}

</mosaic_0001>

<sc_bundles>
// kernel: kernel.5.cloned.1.call-start
scs
__scs_entry_jumppad:
0x0: {  	(pc) =	sbr.rel $0x88, $3  }
0x1: {  	(tag) =	ssettag $0x0;
	lr =	simm.s32 $0x1  }
0x2: {  	[smem:$0x3F9B] =	sst lr;
	_ =	strace $0xD0000000  }
0x3: {  	_ = 	snop  }
0x4: {  	_ = 	snop  }
0x5: {  	_ = 	snop  }
0x6: {  	_ = 	snop  }
0x7: {  	_ = 	snop  }
__scs_overlays_trampoline_lowered:
0x8: {  	[smem:$0x3FAA] =	sst s0  }
0x9: {  	[smem:$0x3FAB] =	sst s1  }
0xa: {  	[smem:$0x3FAC] =	sst s2  }
0xb: {  	[smem:$0x3FAD] =	sst s3  }
0xc: {  	[smem:$0x3FAE] =	sst s4  }
0xd: {  	[smem:$0x3FAF] =	sst s5  }
0xe: {  	[smem:$0x3FB0] =	sst s6  }
0xf: {  	[smem:$0x3FB1] =	sst s7  }
0x10: {  	[smem:$0x3FB2] =	sst s8  }
0x11: {  	[smem:$0x3FB3] =	sst s9;
	s0 =	simm.s32 @!p0 $0x0  }
0x12: {  	s1 =	sld [smem:$0x3F99];
	s0 =	simm.s32 @p0 $0x1  }
0x13: {  	[smem:$0x3FB4] =	sst s0;
	s0 =	simm.s32 @!p1 $0x0  }
0x14: {  	s2 =	sld [smem:$0x3F98];
	s0 =	simm.s32 @p1 $0x1  }
0x15: {  	[smem:$0x3FB5] =	sst s0;
	s0 =	simm.s32 @!p2 $0x0  }
0x16: {  	s3 =	sld [smem:$0x3FDB];
	s0 =	simm.s32 @p2 $0x1  }
0x17: {  	s4 =	simm.s32 $0x1BF5;
	[smem:$0x3FB7] =	sst s0  }
0x18: {  	s0 =	sld [smem:$0x3F9A];
	_ =	swait.ge [sflag:s4], $0x0  }
0x19: {  	s7 =	sld [smem:$0x3F9B]  }
0x1a: {  	s8 =	sadd.s32 $0xFFFFE003, lr  }
0x1b: {  	s9 =	sadd.s32 $0xFFFFFEF7, lr;
	s5 =	simm.s32 $0xFFFFFFFF;
	p2 =	slt.u32 s8, $0xFFFFF086  }
0x1c: {  	p1 =	slt.u32 s9, $0xF7A;
	s5 =	simm.s32 @!p2 $0x0  }
0x1d: {  	s5 =	simm.s32 @p1 $0x1;
	p0 =	seq.s32 s7, s2  }
0x1e: {  	s7 =	smul.u32 @!p0 $0xF7A, s2;
	p2 =	seq.s32 @!p0 s5, $0x0  }
0x1f: {  	s9 =	smul.u32 $0xF7A, s1;
	s8 =	simm.s32 @!p0 $0x1BF5;
	p2 =	por !p2, p0  }
0x20: {  	[sflag:s8] =	ssyncset.s32 @!p0 $0xFFFFF086;
	s6 =	sadd.s32 @!p0 s3, s7;
	s7 =	simm.s32 @!p0 $0x108  }
0x21: {  	s3 =	sadd.s32 s3, s9;
	s6 =	sadd.s32 @!p0 $0x88, s6;
	s7 =	simm.s32 @p2 $0x1082  }
0x22: {  	[simem:s7], [sflag:s8] =	dma.local @!p0 [hbm:s6], $0xF7A  }
0x23: {  	s9 =	sor.u32 $0xD0000000, s2;
	s6 =	simm.s32 $0x108;
	_ =	swait.ge @!p0 [sflag:s8], $0x0  }
0x24: {  	s3 =	sadd.s32 $0x88, s3;
	s6 =	simm.s32 @!p1 $0x1082;
	[sflag:s4] =	ssyncset.s32 $0xFFFFF086  }
0x25: {  	[simem:s6], [sflag:s4] =	dma.local [hbm:s3], $0xF7A  }
0x26: {  	[smem:$0x3F9B] =	sst s1;
	(tag) =	ssettag s2;
	_ =	strace s9  }
0x27: {  	s1 =	sld [smem:$0x3FAB]  }
0x28: {  	s2 =	sld [smem:$0x3FAC]  }
0x29: {  	s4 =	sld [smem:$0x3FAE]  }
0x2a: {  	p0 =	seq.s32 s5, $0x0;
	s5 =	sld [smem:$0x3FAF]  }
0x2b: {  	s6 =	sld [smem:$0x3FB0]  }
0x2c: {  	s7 =	sld [smem:$0x3FB1]  }
0x2d: {  	s3 =	simm.s32 $0x108;
	s8 =	sld [smem:$0x3FB2]  }
0x2e: {  	s3 =	simm.s32 @!p0 $0x1082;
	s9 =	sld [smem:$0x3FB3]  }
0x2f: {  	lr =	sadd.s32 s0, s3;
	s0 =	sld [smem:$0x3FAA]  }
0x30: {  	s3 =	sld [smem:$0x3FAD]  }
0x31: {  	[smem:$0x3FB6] =	sst s10  }
0x32: {  	s10 =	sld [smem:$0x3FB4];
	_ =	sdelay $0x3  }
0x33: {  	p0 =	seq.s32 s10, $0x1;
	s10 =	sld [smem:$0x3FB6];
	_ =	sdelay $0x3  }
0x34: {  	[smem:$0x3FB6] =	sst s10  }
0x35: {  	s10 =	sld [smem:$0x3FB5];
	_ =	sdelay $0x3  }
0x36: {  	p1 =	seq.s32 s10, $0x1;
	s10 =	sld [smem:$0x3FB6];
	_ =	sdelay $0x3  }
0x37: {  	[smem:$0x3FB6] =	sst s10  }
0x38: {  	s10 =	sld [smem:$0x3FB7]  }
0x39: {  	_ = 	snop;
	(pc) =	sbr.ind lr, $3  }
0x3a: {  	_ = 	snop  }
0x3b: {  	_ = 	snop  }
0x3c: {  	p2 =	seq.s32 s10, $0x1;
	s10 =	sld [smem:$0x3FB6]  }
0x3d: {  	_ =	shalt  }
0x3e: {  	_ =	shalt  }
0x3f: {  	_ =	shalt  }
0x40: {  	_ =	shalt  }
0x41: {  	_ =	shalt  }
0x42: {  	_ =	shalt  }
0x43: {  	_ =	shalt  }
0x44: {  	_ =	shalt  }
0x45: {  	_ =	shalt  }
0x46: {  	_ =	shalt  }
0x47: {  	_ =	shalt  }
0x48: {  	_ =	shalt  }
0x49: {  	_ =	shalt  }
0x4a: {  	_ =	shalt  }
0x4b: {  	_ =	shalt  }
0x4c: {  	_ =	shalt  }
0x4d: {  	_ =	shalt  }
0x4e: {  	_ =	shalt  }
0x4f: {  	_ =	shalt  }
0x50: {  	_ =	shalt  }
0x51: {  	_ =	shalt  }
0x52: {  	_ =	shalt  }
0x53: {  	_ =	shalt  }
0x54: {  	_ =	shalt  }
0x55: {  	_ =	shalt  }
0x56: {  	_ =	shalt  }
0x57: {  	_ =	shalt  }
0x58: {  	_ =	shalt  }
0x59: {  	_ =	shalt  }
0x5a: {  	_ =	shalt  }
0x5b: {  	_ =	shalt  }
0x5c: {  	_ =	shalt  }
0x5d: {  	_ =	shalt  }
0x5e: {  	_ =	shalt  }
0x5f: {  	_ =	shalt  }
0x60: {  	_ =	shalt  }
0x61: {  	_ =	shalt  }
0x62: {  	_ =	shalt  }
0x63: {  	_ =	shalt  }
0x64: {  	_ =	shalt  }
0x65: {  	_ =	shalt  }
0x66: {  	_ =	shalt  }
0x67: {  	_ =	shalt  }
0x68: {  	_ =	shalt  }
0x69: {  	_ =	shalt  }
0x6a: {  	_ =	shalt  }
0x6b: {  	_ =	shalt  }
0x6c: {  	_ =	shalt  }
0x6d: {  	_ =	shalt  }
0x6e: {  	_ =	shalt  }
0x6f: {  	_ =	shalt  }
0x70: {  	_ =	shalt  }
0x71: {  	_ =	shalt  }
0x72: {  	_ =	shalt  }
0x73: {  	_ =	shalt  }
0x74: {  	_ =	shalt  }
0x75: {  	_ =	shalt  }
0x76: {  	_ =	shalt  }
0x77: {  	_ =	shalt  }
0x78: {  	_ =	shalt  }
0x79: {  	_ =	shalt  }
0x7a: {  	_ =	shalt  }
0x7b: {  	_ =	shalt  }
0x7c: {  	_ =	shalt  }
0x7d: {  	_ =	shalt  }
0x7e: {  	_ =	shalt  }
0x7f: {  	_ =	shalt  }
0x80: {  	_ =	shalt  }
0x81: {  	_ =	shalt  }
0x82: {  	_ =	shalt  }
0x83: {  	_ =	shalt  }
0x84: {  	_ =	shalt  }
0x85: {  	_ =	shalt  }
0x86: {  	_ =	shalt  }
0x87: {  	_ =	shalt  }
.Lfunc_end0:
.L_simem_size_0:
called_computation_lowered:
.L_overlay_start_0:
0x88: {  	s2 =	sld [smem:$0x3FD9]  }
0x89: {  	s3 =	sld [smem:$0x3FFE];
	_ =	sdelay $0x1  }
0x8a: {  	s1 =	srdreg.scid  }
0x8b: {  	s0 =	sand.u32 $0x1, s1  }
0x8c: {  	s17 =	sshll.u32 s0, $0xA;
	s2 =	sadd.s32 s3, s2  }
0x8d: {  	s2 =	sadd.s32 s2, s17  }
0x8e: {  	[smem:$0x3FC2] =	sst s2  }
0x8f: {  	_ = 	snop  }
0x90: {  	s2 =	sld [smem:$0x3FD0];
	(tm) =	ssettm $0x1  }
0x91: {  	s18 =	sld [smem:$0x3FFB];
	_ =	sdelay $0x3  }
0x92: {  	_ =	strace s18  }
0x93: {  	s3 =	sld [smem:$0x3FFC];
	_ =	sdelay $0x3  }
0x94: {  	_ =	strace s3  }
0x95: {  	s3 =	sld [smem:$0x3FFD];
	_ =	sdelay $0x3  }
0x96: {  	_ =	strace s3  }
0x97: {  	_ =	strace $0x8FFFFFFF  }
0x98: {  	s19 =	sld [smem:$0x3FDB];
	_ =	sdelay $0x1  }
0x99: {  	s4 =	simm.s32 $_scs_section_size  }
0x9a: {  	s5 =	simm.s32 $_size__tile_overlayer_lowered;
	s6 =	simm.s32 $_tile_overlayer_lowered  }
0x9b: {  	s22 =	simm.s32 $0x1BFF;
	s21 =	sshll.u32 s6, $0x1;
	s3 =	sadd.s32 s4, s19  }
0x9c: {  	s7 =	simm.s32 $0x0;
	s20 =	sshll.u32 s5, $0x1;
	s5 =	sadd.s32 s21, s3  }
0x9d: {  	[timem:s7], [sflag:s22] =	dma.local [hbm:s5], s20  }
0x9e: {  	_ =	swait.ge [sflag:s22], s20  }
0x9f: {  	s4 =	ssub.s32 $0x0, s20;
	[sflag:s22] =	ssyncset.done $0x0  }
0xa0: {  	[sflag:s22] =	ssyncadd.s32 s4;
	_ =	sdelay $0x1  }
0xa1: {  	s23 =	simm.s32 $0x1B8B  }
0xa2: {  	_ =	swait.ge [sflag:s23], $0x1  }
0xa3: {  	[sflag:s23] =	ssyncset.done $0x0  }
0xa4: {  	s25 =	simm.s32 $0x1B8E;
	s24 =	sld [smem:$0x3FFE];
	[sflag:s23] =	ssyncadd.s32 $0xFFFFFFFF  }
0xa5: {  	s26 =	simm.s32 $execute0_lowered;
	[smem:$0x3FD2] =	sst s25  }
0xa6: {  	s5 =	sshll.u32 s26, $0x1;
	_ =	strace $0x80000046;
	[dreg:$0x1] =	wrdreg $0xFFFFFFFF  }
0xa7: {  	s28 =	simm.s32 $_size_execute0_lowered;
	s3 =	sadd.s32 s3, s5;
	[dreg:$0x0] =	wrdreg $0x0  }
0xa8: {  	s5 =	sshll.u32 s28, $0x1;
	[dreg:$0x2] =	wrdreg s3  }
0xa9: {  	[dreg:$0x3] =	wrdreg s5  }
0xaa: {  	[dreg:$0x4] =	wrdreg $0xC0  }
0xab: {  	_ =	task [dreg:s7], $0x5FFFF  }
0xac: {  	[dreg:$0x1] =	wrdreg $0xFFFFFFFF  }
0xad: {  	[dreg:$0x0] =	wrdreg $0x60  }
0xae: {  	[dreg:$0x2] =	wrdreg s2  }
0xaf: {  	[dreg:$0x3] =	wrdreg s24  }
0xb0: {  	[dreg:$0x4] =	wrdreg $0x0  }
0xb1: {  	[dreg:$0x5] =	wrdreg $0x9  }
0xb2: {  	_ =	task.clear_ibuf [dreg:s7], $0x6FFFF;
	_ =	strace $0x90000046  }
0xb3: {  	s29 =	simm.s32 $0x9;
	_ =	strace $0x80000048  }
0xb4: {  	_ =	swait.ge [sflag:s29], $0x1  }
0xb5: {  	[sflag:s29] =	ssyncadd.s32 $0xFFFFFFFF  }
0xb6: {  	_ =	strace $0x90000048  }
0xb7: {  	_ =	sfence  }
0xb8: {  	s30 =	sld [smem:$0x0];
	_ =	sdelay $0x2  }
0xb9: {  	s31 =	sshll.u32 s1, $0xD;
	s1 =	sshrl.u32 s1, $0x2  }
0xba: {  	s3 =	sand.u32 $0x4000, s31;
	s1 =	sadd.s32 s1, s30  }
0xbb: {  	s0 =	sor.u32 s3, s0;
	s1 =	sshll.u32 s1, $0x11  }
0xbc: {  	s0 =	sor.u32 s1, s0  }
0xbd: {  	s0 =	sadd.s32 $0x8F2B, s0  }
0xbe: {  	[sflag:s0] =	ssyncadd.remote.s32 $0x1  }
0xbf: {  	_ =	sfence.sel $0xFFFF  }
0xc0: {  	[dreg:$0x0] =	wrdreg $0xFFFFFFFF;
	(pc) =	sbr.abs _section_cstart, $3  }
0xc1: {  	[dreg:$0x1] =	wrdreg $0xFFFFFFFF  }
0xc2: {  	_ =	task.clear_ibuf [dreg:s7], $0x2FFFF;
	_ =	strace $0x9FFFFFFF  }
0xc3: {  	(tm) =	ssettm $0x7FFFFFFF  }
tec
execute0_lowered:
.L_overlay_start_1:
0x0: {  	(tag) =	ssettag $0x1  }
0x1: {  	s0 =	rddreg [dreg:$0x0]  }
0x2: {  	s3 =	rddreg [dreg:$0x1]  }
0x3: {  	s1 =	rddreg [dreg:$0x2];
	s4 =	stileid.u32  }
0x4: {  	s2 =	simm.s32 $0x0;
	s8 =	srdreg.scid;
	s14 =	simm.s32 $0xB  }
0x5: {  	s16 =	simm.s32 $0x13880;
	s17 =	simm.s32 $0x28;
	s5 =	smul.u32 $0x2700, s4  }
0x6: {  	s28 =	simm.s32 $0x3;
	s29 =	simm.s32 $0x4;
	s6 =	smul.u32 $0x2710, s4  }
0x7: {  	s30 =	simm.s32 $0x5;
	s31 =	simm.s32 $0x8;
	s7 =	smul.u32 $0x27100, s4  }
0x8: {  	[smem:$0x7FF] =	sst s2;
	s8 =	sand.u32 $0x1, s8;
	s9 =	smul.u32 $0x4E000, s4  }
0x9: {  	s21 =	sadd.s32 $0x32A00, s3;
	p1 =	sne.s32 s4, $0x0;
	s26 =	sshll.u32 s4, $0x6  }
0xa: {  	s4 =	simm.s32 $0x9;
	_ =	strace $0x80000047;
	s11 =	ssub.s32 $0x2, s8  }
0xb: {  	p0 =	seq.s32 s8, $0x1;
	[dreg:$0x8] =	wrdreg s21;
	s6 =	sshrl.u32 s6, $0x3  }
0xc: {  	s10 =	sadd.s32 s5, s3;
	s7 =	sadd.s32 s7, s3;
	s12 =	sshrl.u32 s11, $0x1  }
0xd: {  	s9 =	sshrl.u32 s9, $0x2;
	s5 =	sadd.s32 s0, s5;
	s0 =	sadd.s32 $0x27000, s0  }
0xe: {  	s6 =	sadd.s32 s6, s3;
	s11 =	ssub.s32 s11, s12;
	[dreg:$0x4] =	wrdreg s5  }
0xf: {  	s18 =	sadd.s32 s9, s1;
	s5 =	sadd.s32 $0x138000, s1;
	[dreg:$0x5] =	wrdreg s0  }
0x10: {  	s20 =	sadd.s32 $0xBA00, s10;
	s24 =	sadd.s32 $0x33100, s7;
	s25 =	sadd.s32 $0x2A4100, s7  }
0x11: {  	s12 =	sor.u32 $0x1C0B, s26;
	s26 =	simm.s32 $0x1B000;
	s0 =	simm.s32 $0x6  }
0x12: {  	s3 =	simm.s32 $0x7;
	s19 =	sadd.s32 $0x6A00, s6;
	[dreg:$0x7] =	wrdreg s20  }
0x13: {  	s22 =	sadd.s32 $0x1A00, s6;
	s23 =	smax.u32 s11, $0x1;
	[dreg:$0xb] =	wrdreg s24  }
.Ltmp0:
0x14: {  	[dreg:$0xc] =	wrdreg s25;
	s13 =	sshrl.u32 s18, $0x3;
	(pc) =	sbr.rel .LBB2_1-.Ltmp0, $4  }
0x15: {  	s15 =	sshrl.u32 @!p1 s5, $0x3;
	s18 =	simm.s32 $0x16000;
	s20 =	simm.s32 $0x17400  }
0x16: {  	s24 =	simm.s32 $0x19C00;
	s25 =	simm.s32 $0x2;
	[dreg:$0x6] =	wrdreg s19  }
0x17: {  	s5 =	simm.s32 $0xA;
	s6 =	simm.s32 $0x0;
	[dreg:$0x9] =	wrdreg s22  }
0x18: {  	[dreg:$0xa] =	wrdreg s23;
	s22 =	simm.s32 $0x18800;
	s23 =	simm.s32 $0x1  }
.LBB2_8:
0x19: {  	_ =	swait.ge [sflag:s0], $0x1400  }
0x1a: {  	[sflag:s0] =	ssyncset.done $0x0  }
0x1b: {  	[sflag:s0] =	ssyncadd.s32 $0xFFFFEC00  }
0x1c: {  	_ =	swait.ge [sflag:s3], $0x1400  }
0x1d: {  	[sflag:s3] =	ssyncset.done $0x0  }
0x1e: {  	[sflag:s3] =	ssyncadd.s32 $0xFFFFEC00  }
0x1f: {  	_ =	swait.ge [sflag:s31], $0x1400  }
0x20: {  	[sflag:s31] =	ssyncset.done $0x0  }
0x21: {  	[sflag:s31] =	ssyncadd.s32 $0xFFFFEC00  }
0x22: {  	_ =	swait.ge [sflag:s4], $0x1400  }
0x23: {  	[sflag:s4] =	ssyncset.done $0x0  }
0x24: {  	[sflag:s4] =	ssyncadd.s32 $0xFFFFEC00  }
0x25: {  	_ =	swait.ge [sflag:s5], $0x1400  }
0x26: {  	s6 =	sadd.s32 $0x1, s6;
	s7 =	rddreg [dreg:$0xa]  }
0x27: {  	p2 =	sne.s32 s6, s7  }
.Ltmp1:
0x28: {  	_ = 	snop;
	(pc) =	sbr.rel @!p2 .LBB2_9-.Ltmp1, $3  }
0x29: {  	_ =	sdelay $0x1  }
0x2a: {  	[sflag:s5] =	ssyncset.done $0x0  }
0x2b: {  	[sflag:s5] =	ssyncadd.s32 $0xFFFFEC00  }
.LBB2_1:
.Ltmp2:
0x2c: {  	(pc) =	sbr.rel @!p0 .LBB2_2-.Ltmp2, $1  }
0x2d: {  	_ =	sdelay $0x3  }
0x2e: {  	s7 =	rddreg [dreg:$0x7]  }
0x2f: {  	[spmem:s13], [sflag:s12] =	dma.local [hbm:s7], $0x2700  }
0x30: {  	_ =	swait.ge [sflag:s14], $0x2700  }
0x31: {  	[sflag:s14] =	ssyncset.done $0x0  }
0x32: {  	s7 =	rddreg [dreg:$0x8];
	[sflag:s14] =	ssyncadd.s32 $0xFFFFD900  }
0x33: {  	[spmem:s15], [sflag:s12] =	dma.local @!p1 [hbm:s7], $0x100  }
0x34: {  	s7 =	simm.s32 @!p1 $0xB  }
0x35: {  	_ =	swait.ge @!p1 [sflag:s7], $0x100  }
0x36: {  	[sflag:s7] =	ssyncset.done @!p1 $0x0  }
0x37: {  	s8 =	rddreg [dreg:$0x9];
	[sflag:s7] =	ssyncadd.s32 @!p1 $0xFFFFFF00;
	s7 =	simm.s32 $0x0  }
0x38: {  	[tilespmem:s16], [sflag:$0xB] =	stream.linear.gather [hbm4b:s8+s7], $0x2710, $0x38;
	[tilespmem:$0x1C400] =	vst v63  }
0x39: {  	_ =	swait.ge [sflag:s14], $0x2710  }
0x3a: {  	[sflag:s14] =	ssyncset.done $0x0  }
0x3b: {  	[sflag:s14] =	ssyncadd.s32 $0xFFFFD8F0  }
0x3c: {  	[bflag:$0x0] =	sbarrier.arrive $0xFFFF  }
0x3d: {  	[tilespmem:s18], [sflag:$0x1] =	stream.indirect.gather [spmem:s1], $0x80, s16, s17, $0xb8;
	[tilespmem:$0x1C400] =	vst v63  }
0x3e: {  	s19 =	simm.s32 $0x138A8  }
0x3f: {  	[tilespmem:s20], [sflag:$0x2] =	stream.indirect.gather [spmem:s1], $0x80, s19, s17, $0xb8;
	[tilespmem:$0x1C400] =	vst v63  }
0x40: {  	s21 =	simm.s32 $0x138D0;
	s10 =	rddreg [dreg:$0xc]  }
0x41: {  	[tilespmem:s22], [sflag:$0x3] =	stream.indirect.gather [spmem:s1], $0x80, s21, s17, $0xb8;
	[tilespmem:$0x1C400] =	vst v63  }
.LBB2_6:
0x42: {  	_ =	swait.ge [sflag:s23], $0x1400  }
0x43: {  	p2 =	seq.s32 s7, $0x0;
	[sflag:s23] =	ssyncset.done $0x0  }
0x44: {  	s8 =	sadd.s32 $0xFFFFFB00, s10;
	s9 =	simm.s32 @!p2 $0x9;
	[sflag:s23] =	ssyncadd.s32 $0xFFFFEC00  }
0x45: {  	[hbm4b:s8+s2] =	stream.linear.scatter [tilespmem:s18], [sflag:$0x6], $0x1400, $0x38;
	[tilespmem:$0x1C400] =	vst v63  }
0x46: {  	_ =	swait.ge @!p2 [sflag:s9], $0x1400  }
0x47: {  	s8 =	sshra.s32 s7, $0x2;
	[sflag:s9] =	ssyncset.done @!p2 $0x0  }
0x48: {  	s21 =	sadd.s32 $0x138F8, s8;
	[sflag:s9] =	ssyncadd.s32 @!p2 $0xFFFFEC00  }
0x49: {  	[tilespmem:s24], [sflag:$0x4] =	stream.indirect.gather [spmem:s1], $0x80, s21, s17, $0xb8;
	[tilespmem:$0x1C400] =	vst v63  }
0x4a: {  	_ =	swait.ge [sflag:s25], $0x1400  }
0x4b: {  	[sflag:s25] =	ssyncset.done $0x0  }
0x4c: {  	s11 =	sadd.s32 $0xFFFFFD80, s10;
	s9 =	simm.s32 @!p2 $0xA;
	[sflag:s25] =	ssyncadd.s32 $0xFFFFEC00  }
0x4d: {  	[hbm4b:s11+s2] =	stream.linear.scatter [tilespmem:s20], [sflag:$0x7], $0x1400, $0x38;
	[tilespmem:$0x1C400] =	vst v63  }
0x4e: {  	_ =	swait.ge @!p2 [sflag:s9], $0x1400  }
0x4f: {  	[sflag:s9] =	ssyncset.done @!p2 $0x0  }
0x50: {  	s19 =	sadd.s32 $0x13920, s8;
	[sflag:s9] =	ssyncadd.s32 @!p2 $0xFFFFEC00  }
0x51: {  	[tilespmem:s26], [sflag:$0x5] =	stream.indirect.gather [spmem:s1], $0x80, s19, s17, $0xb8;
	[tilespmem:$0x1C400] =	vst v63  }
0x52: {  	_ =	swait.ge [sflag:s28], $0x1400  }
0x53: {  	p2 =	seq.s32 s7, $0x9920;
	[sflag:s28] =	ssyncset.done $0x0  }
0x54: {  	s9 =	simm.s32 @!p2 $0x6;
	[sflag:s28] =	ssyncadd.s32 $0xFFFFEC00  }
0x55: {  	[hbm4b:s10+s2] =	stream.linear.scatter [tilespmem:s22], [sflag:$0x8], $0x1400, $0x38;
	[tilespmem:$0x1C400] =	vst v63  }
0x56: {  	_ =	swait.ge @!p2 [sflag:s9], $0x1400  }
0x57: {  	[sflag:s9] =	ssyncset.done @!p2 $0x0  }
0x58: {  	[sflag:s9] =	ssyncadd.s32 @!p2 $0xFFFFEC00;
	s9 =	sshra.s32 @!p2 s7, $0x2  }
0x59: {  	s19 =	simm.s32 @!p2 $0x28;
	s21 =	simm.s32 @!p2 $0x16000;
	s11 =	sadd.s32 @!p2 $0x13948, s9  }
0x5a: {  	[tilespmem:s21], [sflag:$0x1] =	stream.indirect.gather @!p2 [spmem:s1], $0x80, s11, s19, $0xb8;
	[tilespmem:$0x1C400] =	vst v63  }
0x5b: {  	_ =	swait.ge [sflag:s29], $0x1400  }
0x5c: {  	[sflag:s29] =	ssyncset.done $0x0  }
0x5d: {  	s21 =	sadd.s32 $0x280, s10;
	s11 =	simm.s32 @!p2 $0x7;
	[sflag:s29] =	ssyncadd.s32 $0xFFFFEC00  }
0x5e: {  	[hbm4b:s21+s2] =	stream.linear.scatter [tilespmem:s24], [sflag:$0x9], $0x1400, $0x38;
	[tilespmem:$0x1C400] =	vst v63  }
0x5f: {  	_ =	swait.ge @!p2 [sflag:s11], $0x1400  }
0x60: {  	[sflag:s11] =	ssyncset.done @!p2 $0x0  }
0x61: {  	s9 =	sadd.s32 @!p2 $0x13970, s9;
	[sflag:s11] =	ssyncadd.s32 @!p2 $0xFFFFEC00;
	s11 =	simm.s32 @!p2 $0x17400  }
0x62: {  	[tilespmem:s11], [sflag:$0x2] =	stream.indirect.gather @!p2 [spmem:s1], $0x80, s9, s19, $0xb8;
	[tilespmem:$0x1C400] =	vst v63  }
.Ltmp3:
0x63: {  	_ = 	snop;
	(pc) =	sbr.rel @p2 .LBB2_8-.Ltmp3, $4  }
0x64: {  	_ =	swait.ge [sflag:s30], $0x1400  }
0x65: {  	[sflag:s30] =	ssyncset.done $0x0  }
0x66: {  	s21 =	sadd.s32 $0x500, s10;
	[sflag:s30] =	ssyncadd.s32 $0xFFFFEC00  }
0x67: {  	[hbm4b:s21+s2] =	stream.linear.scatter [tilespmem:s26], [sflag:$0xA], $0x1400, $0x38;
	[tilespmem:$0x1C400] =	vst v63  }
.Ltmp4:
0x68: {  	(pc) =	sbr.rel .LBB2_6-.Ltmp4, $4  }
0x69: {  	_ =	swait.ge [sflag:s31], $0x1400  }
0x6a: {  	s8 =	sadd.s32 $0x13998, s8;
	[sflag:s31] =	ssyncset.done $0x0  }
0x6b: {  	s7 =	sadd.s32 $0x320, s7;
	s10 =	sadd.s32 $0xC80, s10;
	[sflag:s31] =	ssyncadd.s32 $0xFFFFEC00  }
0x6c: {  	[tilespmem:s22], [sflag:$0x3] =	stream.indirect.gather [spmem:s1], $0x80, s8, s17, $0xb8;
	[tilespmem:$0x1C400] =	vst v63  }
.LBB2_2:
0x6d: {  	s7 =	rddreg [dreg:$0x4]  }
0x6e: {  	[spmem:s13], [sflag:s12] =	dma.local [hbm:s7], $0x2700  }
0x6f: {  	_ =	swait.ge [sflag:s14], $0x2700  }
0x70: {  	[sflag:s14] =	ssyncset.done $0x0  }
0x71: {  	s7 =	rddreg [dreg:$0x5];
	[sflag:s14] =	ssyncadd.s32 $0xFFFFD900  }
0x72: {  	[spmem:s15], [sflag:s12] =	dma.local @!p1 [hbm:s7], $0x100  }
0x73: {  	s7 =	simm.s32 @!p1 $0xB  }
0x74: {  	_ =	swait.ge @!p1 [sflag:s7], $0x100  }
0x75: {  	[sflag:s7] =	ssyncset.done @!p1 $0x0  }
0x76: {  	s8 =	rddreg [dreg:$0x6];
	[sflag:s7] =	ssyncadd.s32 @!p1 $0xFFFFFF00;
	s7 =	simm.s32 $0x0  }
0x77: {  	[tilespmem:s16], [sflag:$0xB] =	stream.linear.gather [hbm4b:s8+s7], $0x2710, $0x38;
	[tilespmem:$0x1C400] =	vst v63  }
0x78: {  	_ =	swait.ge [sflag:s14], $0x2710  }
0x79: {  	[sflag:s14] =	ssyncset.done $0x0  }
0x7a: {  	[sflag:s14] =	ssyncadd.s32 $0xFFFFD8F0  }
0x7b: {  	[bflag:$0x0] =	sbarrier.arrive $0xFFFF  }
0x7c: {  	[tilespmem:s18], [sflag:$0x1] =	stream.indirect.gather [spmem:s1], $0x80, s16, s17, $0xb8;
	[tilespmem:$0x1C400] =	vst v63  }
0x7d: {  	s19 =	simm.s32 $0x138A8  }
0x7e: {  	[tilespmem:s20], [sflag:$0x2] =	stream.indirect.gather [spmem:s1], $0x80, s19, s17, $0xb8;
	[tilespmem:$0x1C400] =	vst v63  }
0x7f: {  	s21 =	simm.s32 $0x138D0;
	s10 =	rddreg [dreg:$0xb]  }
0x80: {  	[tilespmem:s22], [sflag:$0x3] =	stream.indirect.gather [spmem:s1], $0x80, s21, s17, $0xb8;
	[tilespmem:$0x1C400] =	vst v63  }
.LBB2_3:
0x81: {  	_ =	swait.ge [sflag:s23], $0x1400  }
0x82: {  	p2 =	seq.s32 s7, $0x0;
	[sflag:s23] =	ssyncset.done $0x0  }
0x83: {  	s8 =	sadd.s32 $0xFFFFFB00, s10;
	s11 =	simm.s32 @!p2 $0x9;
	[sflag:s23] =	ssyncadd.s32 $0xFFFFEC00  }
0x84: {  	[hbm4b:s8+s2] =	stream.linear.scatter [tilespmem:s18], [sflag:$0x6], $0x1400, $0x38;
	[tilespmem:$0x1C400] =	vst v63  }
0x85: {  	_ =	swait.ge @!p2 [sflag:s11], $0x1400  }
0x86: {  	s8 =	sshra.s32 s7, $0x2;
	[sflag:s11] =	ssyncset.done @!p2 $0x0  }
0x87: {  	s19 =	sadd.s32 $0x138F8, s8;
	[sflag:s11] =	ssyncadd.s32 @!p2 $0xFFFFEC00  }
0x88: {  	[tilespmem:s24], [sflag:$0x4] =	stream.indirect.gather [spmem:s1], $0x80, s19, s17, $0xb8;
	[tilespmem:$0x1C400] =	vst v63  }
0x89: {  	_ =	swait.ge [sflag:s25], $0x1400  }
0x8a: {  	[sflag:s25] =	ssyncset.done $0x0  }
0x8b: {  	s21 =	sadd.s32 $0xFFFFFD80, s10;
	s11 =	simm.s32 @!p2 $0xA;
	[sflag:s25] =	ssyncadd.s32 $0xFFFFEC00  }
0x8c: {  	[hbm4b:s21+s2] =	stream.linear.scatter [tilespmem:s20], [sflag:$0x7], $0x1400, $0x38;
	[tilespmem:$0x1C400] =	vst v63  }
0x8d: {  	_ =	swait.ge @!p2 [sflag:s11], $0x1400  }
0x8e: {  	[sflag:s11] =	ssyncset.done @!p2 $0x0  }
0x8f: {  	s9 =	sadd.s32 $0x13920, s8;
	[sflag:s11] =	ssyncadd.s32 @!p2 $0xFFFFEC00  }
0x90: {  	[tilespmem:s26], [sflag:$0x5] =	stream.indirect.gather [spmem:s1], $0x80, s9, s17, $0xb8;
	[tilespmem:$0x1C400] =	vst v63  }
0x91: {  	_ =	swait.ge [sflag:s28], $0x1400  }
0x92: {  	p2 =	seq.s32 s7, $0x9920;
	[sflag:s28] =	ssyncset.done $0x0  }
0x93: {  	s11 =	simm.s32 @!p2 $0x6;
	[sflag:s28] =	ssyncadd.s32 $0xFFFFEC00  }
0x94: {  	[hbm4b:s10+s2] =	stream.linear.scatter [tilespmem:s22], [sflag:$0x8], $0x1400, $0x38;
	[tilespmem:$0x1C400] =	vst v63  }
0x95: {  	_ =	swait.ge @!p2 [sflag:s11], $0x1400  }
0x96: {  	[sflag:s11] =	ssyncset.done @!p2 $0x0  }
0x97: {  	[sflag:s11] =	ssyncadd.s32 @!p2 $0xFFFFEC00;
	s11 =	sshra.s32 @!p2 s7, $0x2  }
0x98: {  	s21 =	simm.s32 @!p2 $0x28;
	s9 =	simm.s32 @!p2 $0x16000;
	s19 =	sadd.s32 @!p2 $0x13948, s11  }
0x99: {  	[tilespmem:s9], [sflag:$0x1] =	stream.indirect.gather @!p2 [spmem:s1], $0x80, s19, s21, $0xb8;
	[tilespmem:$0x1C400] =	vst v63  }
0x9a: {  	_ =	swait.ge [sflag:s29], $0x1400  }
0x9b: {  	[sflag:s29] =	ssyncset.done $0x0  }
0x9c: {  	s19 =	sadd.s32 $0x280, s10;
	s9 =	simm.s32 @!p2 $0x7;
	[sflag:s29] =	ssyncadd.s32 $0xFFFFEC00  }
0x9d: {  	[hbm4b:s19+s2] =	stream.linear.scatter [tilespmem:s24], [sflag:$0x9], $0x1400, $0x38;
	[tilespmem:$0x1C400] =	vst v63  }
0x9e: {  	_ =	swait.ge @!p2 [sflag:s9], $0x1400  }
0x9f: {  	[sflag:s9] =	ssyncset.done @!p2 $0x0  }
0xa0: {  	[sflag:s9] =	ssyncadd.s32 @!p2 $0xFFFFEC00;
	s9 =	sadd.s32 @!p2 $0x13970, s11;
	s11 =	simm.s32 @!p2 $0x17400  }
0xa1: {  	[tilespmem:s11], [sflag:$0x2] =	stream.indirect.gather @!p2 [spmem:s1], $0x80, s9, s21, $0xb8;
	[tilespmem:$0x1C400] =	vst v63  }
.Ltmp5:
0xa2: {  	_ = 	snop;
	(pc) =	sbr.rel @p2 .LBB2_8-.Ltmp5, $4  }
0xa3: {  	_ =	swait.ge [sflag:s30], $0x1400  }
0xa4: {  	[sflag:s30] =	ssyncset.done $0x0  }
0xa5: {  	s21 =	sadd.s32 $0x500, s10;
	[sflag:s30] =	ssyncadd.s32 $0xFFFFEC00  }
0xa6: {  	[hbm4b:s21+s2] =	stream.linear.scatter [tilespmem:s26], [sflag:$0xA], $0x1400, $0x38;
	[tilespmem:$0x1C400] =	vst v63  }
.Ltmp6:
0xa7: {  	(pc) =	sbr.rel .LBB2_3-.Ltmp6, $4  }
0xa8: {  	_ =	swait.ge [sflag:s31], $0x1400  }
0xa9: {  	s8 =	sadd.s32 $0x13998, s8;
	[sflag:s31] =	ssyncset.done $0x0  }
0xaa: {  	s7 =	sadd.s32 $0x320, s7;
	s10 =	sadd.s32 $0xC80, s10;
	[sflag:s31] =	ssyncadd.s32 $0xFFFFEC00  }
0xab: {  	[tilespmem:s22], [sflag:$0x3] =	stream.indirect.gather [spmem:s1], $0x80, s8, s17, $0xb8;
	[tilespmem:$0x1C400] =	vst v63  }
.LBB2_9:
0xac: {  	_ =	sfence.sel $0x180000  }
0xad: {  	[bflag:$0x0] =	sbarrier.arrive $0xFFFF  }
0xae: {  	_ =	strace $0x90000047  }
0xaf: {  	[bflag:$0x2] =	sbarrier.arrive $0xFFFF  }
0xb0: {  	s0 =	rddreg [dreg:$0x3]  }
0xb1: {  	s0 =	sadd.s32 @!p1 $0x100000, s0  }
0xb2: {  	[sflag:s0] =	ssyncadd.tile.s32 @!p1 $0x1;
	_ =	shalt  }
.Lfunc_end2:
_tile_overlayer_lowered:
.L_overlay_start_2:
0xb3: {  	(tag) =	ssettag $0x2  }
0xb4: {  	s0 =	rddreg [dreg:$0x0];
	s2 =	stileid.u32  }
0xb5: {  	s1 =	rddreg [dreg:$0x1];
	p0 =	sne.s32 s2, $0x0  }
0xb6: {  	s3 =	rddreg [dreg:$0x2];
	[bflag:$0x3] =	sbarrier.arrive $0xFFFF;
	s2 =	simm.s32 @!p0 $0x1C0B  }
0xb7: {  	[timem:s3], [sflag:s2] =	dma.local @!p0 [hbm:s0], s1  }
0xb8: {  	s0 =	simm.s32 @!p0 $0xB  }
0xb9: {  	_ =	swait.ge @!p0 [sflag:s0], s1  }
0xba: {  	s1 =	ssub.s32 @!p0 $0x0, s1;
	[sflag:s0] =	ssyncset.done @!p0 $0x0  }
0xbb: {  	[sflag:s0] =	ssyncadd.s32 @!p0 s1  }
0xbc: {  	[bflag:$0x3] =	sbarrier.arrive $0xFFFF  }
0xbd: {  	_ =	shalt  }

</sc_bundles>
